<compile_context>
chip_gen: v7x
topology: tpu7x:2x2x1
jax: 0.10.2.dev20260603
libtpu: 0.0.44.dev20260713+nightly
codegen_flags: <defaults>
</compile_context>

<pallas_src>
import functools

import jax
import jax.numpy as jnp
from jax import lax
from jax.experimental import pallas as pl
from jax.experimental.pallas import tpu as pltpu
from jax.experimental.pallas import tpu_sc as plsc

D = 128
BATCH = 4096
SEQ = 200
B = BATCH * SEQ
L = 16
NC = 2
NS = 16
NW = NC * NS
B_PER_W = B // NW
CH = 128
N_CHUNK = B_PER_W // CH


def _rsqrt16(x):
    i = plsc.bitcast(x, jnp.int32)
    i = jnp.int32(0x5F3759DF) - (i >> 1)
    y = plsc.bitcast(i, jnp.float32)
    half_x = x * 0.5
    for _ in range(2):
        y = y * (1.5 - half_x * y * y)
    return y


@functools.partial(
    pl.kernel,
    out_type=jax.ShapeDtypeStruct((B, D), jnp.float32),
    mesh=plsc.VectorSubcoreMesh(core_axis_name="c", subcore_axis_name="s"),
    scratch_types=[
        pltpu.VMEM((B_PER_W,), jnp.int32),
        [pltpu.VMEM((CH, D), jnp.float32)] * 5,
        [pltpu.SemaphoreType.DMA] * 5,
        [pltpu.SemaphoreType.DMA] * 5,
    ],
    compiler_params=pltpu.CompilerParams(needs_layout_passes=False),
)
def _gather_norm(idx_hbm, table_hbm, out_hbm, idx_all, bufs, gsems, wsems):
    wid = lax.axis_index("s") * NC + lax.axis_index("c")
    base = wid * B_PER_W

    pltpu.sync_copy(idx_hbm.at[pl.ds(base, B_PER_W)], idx_all)

    def gather_start(g, b):
        pltpu.async_copy(
            table_hbm.at[idx_all.at[pl.ds(g * CH, CH)]], bufs[b], gsems[b])

    def gather_wait(b):
        pltpu.make_async_copy(
            table_hbm.at[idx_all.at[pl.ds(0, CH)]], bufs[b], gsems[b]).wait()

    def write_start(g, b):
        pltpu.async_copy(
            bufs[b], out_hbm.at[pl.ds(base + g * CH, CH)], wsems[b])

    def write_wait(b):
        pltpu.make_async_copy(
            bufs[b], out_hbm.at[pl.ds(base, CH)], wsems[b]).wait()

    def normalize(buf):
        def row_body(r):
            vs = []
            acc = None
            for j in range(D // L):
                v = buf[r, pl.ds(j * L, L)]
                vs.append(v)
                acc = v * v if acc is None else acc + v * v
            total = jnp.maximum(jnp.sum(acc), jnp.float32(1e-24))
            inv = _rsqrt16(jnp.full((L,), total, jnp.float32))
            for j in range(D // L):
                buf[r, pl.ds(j * L, L)] = vs[j] * inv

        plsc.parallel_loop(0, CH, unroll=2)(row_body)

    gather_start(0, 0)
    gather_start(1, 1)

    def outer_body(o, carry):
        for b in range(5):
            g = 5 * o + b
            bn = (b + 2) % 5

            @pl.when(g >= 3)
            def _():
                write_wait(bn)

            @pl.when(g < N_CHUNK - 2)
            def _():
                gather_start(g + 2, bn)

            gather_wait(b)
            normalize(bufs[b])
            write_start(g, b)
        return carry

    lax.fori_loop(0, N_CHUNK // 5, outer_body, 0)
    write_wait(2)
    write_wait(3)
    write_wait(4)


def kernel(indices, weight):
    idx = indices.reshape(-1).astype(jnp.int32)
    out = _gather_norm(idx, weight)
    return out.reshape(BATCH, SEQ, D)

# --- scband reference (transcript-rebuilt; emitter-appended) ---
"""Pipeline reference for scband-entity-embedding-9646496547189 (READ-ONLY COPY).

The authoritative reference and input builder live on the scoring server;
editing this copy changes nothing except your own understanding.
"""

import jax, jax.numpy as jnp
import numpy as np
import math

NUM_ENTITIES = 100000
EMBED_DIM = 128
INIT_SCALE = 1.0


def _init_weight(key):
    bound = INIT_SCALE * math.sqrt(6.0 / EMBED_DIM)
    w = jax.random.uniform(key, (NUM_ENTITIES, EMBED_DIM), dtype=jnp.float32, minval=-bound, maxval=bound)
    # normalize rows to unit sphere (matches torch F.normalize with eps=1e-12)
    norm = jnp.linalg.norm(w, ord=2, axis=1, keepdims=True)
    w = w / jnp.maximum(norm, 1e-12)
    return w


def setup_inputs(seed: int = 0) -> dict:
    key = jax.random.key(seed)
    k_idx, k_w = jax.random.split(key)
    indices = jax.random.randint(k_idx, (4096, 200), 0, NUM_ENTITIES, dtype=jnp.int64)
    weight = _init_weight(k_w)
    return {"indices": indices, "weight": weight}


def reference(indices, weight):
    # embedding lookup (gather)
    embeddings = jnp.take(weight, indices, axis=0)  # [B, L, d]
    # L2 normalize along last dim, eps=1e-12 like torch.nn.functional.normalize
    norm = jnp.linalg.norm(embeddings, ord=2, axis=-1, keepdims=True)
    embeddings = embeddings / jnp.maximum(norm, 1e-12)
    return embeddings

if __name__ == "__main__":
    import jax
    _d = setup_inputs()
    print(jax.jit(kernel)(*tuple(_d.values())))

</pallas_src>

<mosaic_0001>
#map = affine_map<(d0, d1) -> (0)>
#map1 = affine_map<(d0, d1) -> (0, 0)>
module attributes {stable_mosaic.version = 14 : i64} {
  func.func @_gather_norm(%arg0: i32, %arg1: i32, %arg2: memref<819200xi32, #tpu.memory_space<hbm>>, %arg3: memref<100000x128xf32, #tpu.memory_space<hbm>>, %arg4: memref<819200x128xf32, #tpu.memory_space<hbm>>, %arg5: memref<25600xi32, #tpu.memory_space<vmem>>, %arg6: memref<128x128xf32, #tpu.memory_space<vmem>>, %arg7: memref<128x128xf32, #tpu.memory_space<vmem>>, %arg8: memref<128x128xf32, #tpu.memory_space<vmem>>, %arg9: memref<128x128xf32, #tpu.memory_space<vmem>>, %arg10: memref<128x128xf32, #tpu.memory_space<vmem>>, %arg11: memref<!tpu.dma_semaphore, #tpu.memory_space<semaphore_mem>>, %arg12: memref<!tpu.dma_semaphore, #tpu.memory_space<semaphore_mem>>, %arg13: memref<!tpu.dma_semaphore, #tpu.memory_space<semaphore_mem>>, %arg14: memref<!tpu.dma_semaphore, #tpu.memory_space<semaphore_mem>>, %arg15: memref<!tpu.dma_semaphore, #tpu.memory_space<semaphore_mem>>, %arg16: memref<!tpu.dma_semaphore, #tpu.memory_space<semaphore_mem>>, %arg17: memref<!tpu.dma_semaphore, #tpu.memory_space<semaphore_mem>>, %arg18: memref<!tpu.dma_semaphore, #tpu.memory_space<semaphore_mem>>, %arg19: memref<!tpu.dma_semaphore, #tpu.memory_space<semaphore_mem>>, %arg20: memref<!tpu.dma_semaphore, #tpu.memory_space<semaphore_mem>>) attributes {dimension_semantics = [#tpu.dimension_semantics<core_parallel>, #tpu.dimension_semantics<subcore_parallel>], iteration_bounds = array<i64: 2, 16>, scalar_prefetch = 0 : i64, scratch_operands = 16 : i64, tpu.core_type = #tpu.core_type<sc_vector_subcore>, window_params = [{transform_indices = #map}, {transform_indices = #map1}, {transform_indices = #map1}]} {
    %mul3A = arith.constant 2 : i32
    %mul3A_0 = arith.muli %arg1, %mul3A : i32
    %add3A = arith.addi %mul3A_0, %arg0 : i32
    %mul3A_1 = arith.constant 25600 : i32
    %mul3A_2 = arith.muli %add3A, %mul3A_1 : i32
    "tpu.region"() ({
      %run_scoped3A = tpu.sem_alloc : memref<!tpu.dma_semaphore, #tpu.memory_space<semaphore_mem>>
      %dma_start3A_28 = tpu.memref_slice %arg2[%mul3A_2] : memref<819200xi32, #tpu.memory_space<hbm>> -> memref<25600xi32, #tpu.memory_space<hbm>>
      %dma_start3A_29 = tpu.memref_slice %arg2[%mul3A_2] : memref<819200xi32, #tpu.memory_space<hbm>> -> memref<25600xi32, #tpu.memory_space<hbm>>
      tpu.enqueue_dma source(%dma_start3A_29 : memref<25600xi32, #tpu.memory_space<hbm>>) target(%arg5 : memref<25600xi32, #tpu.memory_space<vmem>>) target_semaphore(%run_scoped3A : memref<!tpu.dma_semaphore, #tpu.memory_space<semaphore_mem>>)
      %dma_wait3A_30 = tpu.memref_slice %arg2[%mul3A_2] : memref<819200xi32, #tpu.memory_space<hbm>> -> memref<25600xi32, #tpu.memory_space<hbm>>
      %dma_wait3A_31 = tpu.memref_slice %arg2[%mul3A_2] : memref<819200xi32, #tpu.memory_space<hbm>> -> memref<25600xi32, #tpu.memory_space<hbm>>
      tpu.wait_dma2 semaphore(%run_scoped3A : memref<!tpu.dma_semaphore, #tpu.memory_space<semaphore_mem>>) src(%dma_wait3A_31 : memref<25600xi32, #tpu.memory_space<hbm>>) dst(%arg5 : memref<25600xi32, #tpu.memory_space<vmem>>)
      tpu.yield
    }) : () -> ()
    %dma_start3A = arith.constant 0 : i32
    %dma_start3A_3 = tpu.memref_slice %arg5[%dma_start3A] : memref<25600xi32, #tpu.memory_space<vmem>> -> memref<128xi32, #tpu.memory_space<vmem>>
    %dma_start3A_4 = arith.constant 0 : i32
    %dma_start3A_5 = arith.constant 0 : i32
    %dma_start3A_6 = tpu.memref_slice %arg3[%dma_start3A_4, %dma_start3A_5] : memref<100000x128xf32, #tpu.memory_space<hbm>> -> memref<100000x128xf32, #tpu.memory_space<hbm>>
    tpu.enqueue_indirect_dma source(%dma_start3A_6 : memref<100000x128xf32, #tpu.memory_space<hbm>>) target(%arg6 : memref<128x128xf32, #tpu.memory_space<vmem>>) offsets(%dma_start3A_3 : memref<128xi32, #tpu.memory_space<vmem>>) semaphore(%arg11 : memref<!tpu.dma_semaphore, #tpu.memory_space<semaphore_mem>>)
    %dma_start3A_7 = arith.constant 128 : i32
    %dma_start3A_8 = tpu.memref_slice %arg5[%dma_start3A_7] : memref<25600xi32, #tpu.memory_space<vmem>> -> memref<128xi32, #tpu.memory_space<vmem>>
    %dma_start3A_9 = arith.constant 0 : i32
    %dma_start3A_10 = arith.constant 0 : i32
    %dma_start3A_11 = tpu.memref_slice %arg3[%dma_start3A_9, %dma_start3A_10] : memref<100000x128xf32, #tpu.memory_space<hbm>> -> memref<100000x128xf32, #tpu.memory_space<hbm>>
    tpu.enqueue_indirect_dma source(%dma_start3A_11 : memref<100000x128xf32, #tpu.memory_space<hbm>>) target(%arg7 : memref<128x128xf32, #tpu.memory_space<vmem>>) offsets(%dma_start3A_8 : memref<128xi32, #tpu.memory_space<vmem>>) semaphore(%arg12 : memref<!tpu.dma_semaphore, #tpu.memory_space<semaphore_mem>>)
    %scan3A = arith.constant 0 : i32
    %scan3A_12 = arith.constant 0 : i32
    %scan3A_13 = arith.constant 40 : i32
    %scan3A_14 = arith.addi %scan3A_12, %scan3A_13 : i32
    %scan3A_15 = arith.constant 1 : i32
    scf.for %scan3A_28 = %scan3A_12 to %scan3A_14 step %scan3A_15  : i32 {
      %mul3A_29 = arith.constant 5 : i32
      %mul3A_30 = arith.muli %mul3A_29, %scan3A_28 : i32
      %add3A_31 = arith.constant 0 : i32
      %add3A_32 = arith.addi %mul3A_30, %add3A_31 : i32
      %ge3A = arith.constant 3 : i32
      %ge3A_33 = arith.cmpi sge, %add3A_32, %ge3A : i32
      %convert_element_type3A = arith.extui %ge3A_33 : i1 to i32
      %cond3A = arith.constant 0 : i32
      %cond3A_34 = arith.cmpi ne, %convert_element_type3A, %cond3A : i32
      scf.if %cond3A_34 {
        %dma_wait3A_169 = arith.constant 0 : i32
        %dma_wait3A_170 = tpu.memref_slice %arg4[%mul3A_2, %dma_wait3A_169] : memref<819200x128xf32, #tpu.memory_space<hbm>> -> memref<128x128xf32, #tpu.memory_space<hbm>>
        %dma_wait3A_171 = arith.constant 0 : i32
        %dma_wait3A_172 = tpu.memref_slice %arg4[%mul3A_2, %dma_wait3A_171] : memref<819200x128xf32, #tpu.memory_space<hbm>> -> memref<128x128xf32, #tpu.memory_space<hbm>>
        tpu.wait_dma2 semaphore(%arg18 : memref<!tpu.dma_semaphore, #tpu.memory_space<semaphore_mem>>) src(%arg8 : memref<128x128xf32, #tpu.memory_space<vmem>>) dst(%dma_wait3A_172 : memref<128x128xf32, #tpu.memory_space<hbm>>)
      } else {
      }
      %lt3A = arith.constant 198 : i32
      %lt3A_35 = arith.cmpi slt, %add3A_32, %lt3A : i32
      %convert_element_type3A_36 = arith.extui %lt3A_35 : i1 to i32
      %cond3A_37 = arith.constant 0 : i32
      %cond3A_38 = arith.cmpi ne, %convert_element_type3A_36, %cond3A_37 : i32
      scf.if %cond3A_38 {
        %add3A_169 = arith.constant 2 : i32
        %add3A_170 = arith.addi %add3A_32, %add3A_169 : i32
        %mul3A_171 = arith.constant 128 : i32
        %mul3A_172 = arith.muli %add3A_170, %mul3A_171 : i32
        %dma_start3A_173 = tpu.memref_slice %arg5[%mul3A_172] : memref<25600xi32, #tpu.memory_space<vmem>> -> memref<128xi32, #tpu.memory_space<vmem>>
        %dma_start3A_174 = arith.constant 0 : i32
        %dma_start3A_175 = arith.constant 0 : i32
        %dma_start3A_176 = tpu.memref_slice %arg3[%dma_start3A_174, %dma_start3A_175] : memref<100000x128xf32, #tpu.memory_space<hbm>> -> memref<100000x128xf32, #tpu.memory_space<hbm>>
        tpu.enqueue_indirect_dma source(%dma_start3A_176 : memref<100000x128xf32, #tpu.memory_space<hbm>>) target(%arg8 : memref<128x128xf32, #tpu.memory_space<vmem>>) offsets(%dma_start3A_173 : memref<128xi32, #tpu.memory_space<vmem>>) semaphore(%arg13 : memref<!tpu.dma_semaphore, #tpu.memory_space<semaphore_mem>>)
      } else {
      }
      %dma_wait3A_39 = arith.constant 0 : i32
      %dma_wait3A_40 = tpu.memref_slice %arg5[%dma_wait3A_39] : memref<25600xi32, #tpu.memory_space<vmem>> -> memref<128xi32, #tpu.memory_space<vmem>>
      %dma_wait3A_41 = arith.constant 0 : i32
      %dma_wait3A_42 = arith.constant 0 : i32
      %dma_wait3A_43 = tpu.memref_slice %arg3[%dma_wait3A_41, %dma_wait3A_42] : memref<100000x128xf32, #tpu.memory_space<hbm>> -> memref<100000x128xf32, #tpu.memory_space<hbm>>
      tpu.wait_indirect_dma semaphore(%arg11 : memref<!tpu.dma_semaphore, #tpu.memory_space<semaphore_mem>>) src(%dma_wait3A_43 : memref<100000x128xf32, #tpu.memory_space<hbm>>) dst(%arg6 : memref<128x128xf32, #tpu.memory_space<vmem>>)
      %parallel_loop3A = arith.constant 0 : i32
      %parallel_loop3A_44 = arith.constant 128 : i32
      %parallel_loop3A_45 = arith.constant 1 : i32
      scf.for %parallel_loop3A_169 = %parallel_loop3A to %parallel_loop3A_44 step %parallel_loop3A_45  : i32 {
        %parallel_loop3A_170 = arith.index_cast %parallel_loop3A_169 : i32 to index
        %parallel_loop3A_171 = arith.constant 0 : index
        %parallel_loop3A_172 = tpu.vector_load %arg6[%parallel_loop3A_170, %parallel_loop3A_171] {strides = array<i32>} : memref<128x128xf32, #tpu.memory_space<vmem>>, vector<16xf32>,
        %parallel_loop3A_173 = arith.mulf %parallel_loop3A_172, %parallel_loop3A_172 : vector<16xf32>
        %parallel_loop3A_174 = arith.index_cast %parallel_loop3A_169 : i32 to index
        %parallel_loop3A_175 = arith.constant 16 : index
        %parallel_loop3A_176 = tpu.vector_load %arg6[%parallel_loop3A_174, %parallel_loop3A_175] {strides = array<i32>} : memref<128x128xf32, #tpu.memory_space<vmem>>, vector<16xf32>,
        %parallel_loop3A_177 = arith.mulf %parallel_loop3A_176, %parallel_loop3A_176 : vector<16xf32>
        %parallel_loop3A_178 = arith.addf %parallel_loop3A_173, %parallel_loop3A_177 : vector<16xf32>
        %parallel_loop3A_179 = arith.index_cast %parallel_loop3A_169 : i32 to index
        %parallel_loop3A_180 = arith.constant 32 : index
        %parallel_loop3A_181 = tpu.vector_load %arg6[%parallel_loop3A_179, %parallel_loop3A_180] {strides = array<i32>} : memref<128x128xf32, #tpu.memory_space<vmem>>, vector<16xf32>,
        %parallel_loop3A_182 = arith.mulf %parallel_loop3A_181, %parallel_loop3A_181 : vector<16xf32>
        %parallel_loop3A_183 = arith.addf %parallel_loop3A_178, %parallel_loop3A_182 : vector<16xf32>
        %parallel_loop3A_184 = arith.index_cast %parallel_loop3A_169 : i32 to index
        %parallel_loop3A_185 = arith.constant 48 : index
        %parallel_loop3A_186 = tpu.vector_load %arg6[%parallel_loop3A_184, %parallel_loop3A_185] {strides = array<i32>} : memref<128x128xf32, #tpu.memory_space<vmem>>, vector<16xf32>,
        %parallel_loop3A_187 = arith.mulf %parallel_loop3A_186, %parallel_loop3A_186 : vector<16xf32>
        %parallel_loop3A_188 = arith.addf %parallel_loop3A_183, %parallel_loop3A_187 : vector<16xf32>
        %parallel_loop3A_189 = arith.index_cast %parallel_loop3A_169 : i32 to index
        %parallel_loop3A_190 = arith.constant 64 : index
        %parallel_loop3A_191 = tpu.vector_load %arg6[%parallel_loop3A_189, %parallel_loop3A_190] {strides = array<i32>} : memref<128x128xf32, #tpu.memory_space<vmem>>, vector<16xf32>,
        %parallel_loop3A_192 = arith.mulf %parallel_loop3A_191, %parallel_loop3A_191 : vector<16xf32>
        %parallel_loop3A_193 = arith.addf %parallel_loop3A_188, %parallel_loop3A_192 : vector<16xf32>
        %parallel_loop3A_194 = arith.index_cast %parallel_loop3A_169 : i32 to index
        %parallel_loop3A_195 = arith.constant 80 : index
        %parallel_loop3A_196 = tpu.vector_load %arg6[%parallel_loop3A_194, %parallel_loop3A_195] {strides = array<i32>} : memref<128x128xf32, #tpu.memory_space<vmem>>, vector<16xf32>,
        %parallel_loop3A_197 = arith.mulf %parallel_loop3A_196, %parallel_loop3A_196 : vector<16xf32>
        %parallel_loop3A_198 = arith.addf %parallel_loop3A_193, %parallel_loop3A_197 : vector<16xf32>
        %parallel_loop3A_199 = arith.index_cast %parallel_loop3A_169 : i32 to index
        %parallel_loop3A_200 = arith.constant 96 : index
        %parallel_loop3A_201 = tpu.vector_load %arg6[%parallel_loop3A_199, %parallel_loop3A_200] {strides = array<i32>} : memref<128x128xf32, #tpu.memory_space<vmem>>, vector<16xf32>,
        %parallel_loop3A_202 = arith.mulf %parallel_loop3A_201, %parallel_loop3A_201 : vector<16xf32>
        %parallel_loop3A_203 = arith.addf %parallel_loop3A_198, %parallel_loop3A_202 : vector<16xf32>
        %parallel_loop3A_204 = arith.index_cast %parallel_loop3A_169 : i32 to index
        %parallel_loop3A_205 = arith.constant 112 : index
        %parallel_loop3A_206 = tpu.vector_load %arg6[%parallel_loop3A_204, %parallel_loop3A_205] {strides = array<i32>} : memref<128x128xf32, #tpu.memory_space<vmem>>, vector<16xf32>,
        %parallel_loop3A_207 = arith.mulf %parallel_loop3A_206, %parallel_loop3A_206 : vector<16xf32>
        %parallel_loop3A_208 = arith.addf %parallel_loop3A_203, %parallel_loop3A_207 : vector<16xf32>
        %parallel_loop3A_209 = arith.constant true
        %parallel_loop3A_210 = vector.broadcast %parallel_loop3A_209 : i1 to vector<16xi1>
        %parallel_loop3A_211 = tpu.scan <sum>, %parallel_loop3A_208 masked %parallel_loop3A_210 : vector<16xf32>, vector<16xi1> -> vector<16xf32>
        %parallel_loop3A_212 = vector.extract %parallel_loop3A_211[15] : f32 from vector<16xf32>
        %parallel_loop3A_213 = arith.constant 1.000000e-24 : f32
        %parallel_loop3A_214 = arith.maximumf %parallel_loop3A_212, %parallel_loop3A_213 : f32
        %parallel_loop3A_215 = vector.broadcast %parallel_loop3A_214 : f32 to vector<16xf32>
        %parallel_loop3A_216 = vector.bitcast %parallel_loop3A_215 : vector<16xf32> to vector<16xi32>
        %parallel_loop3A_217 = arith.constant 1 : i32
        %parallel_loop3A_218 = vector.broadcast %parallel_loop3A_217 : i32 to vector<16xi32>
        %parallel_loop3A_219 = arith.shrsi %parallel_loop3A_216, %parallel_loop3A_218 : vector<16xi32>
        %parallel_loop3A_220 = arith.constant 1597463007 : i32
        %parallel_loop3A_221 = vector.broadcast %parallel_loop3A_220 : i32 to vector<16xi32>
        %parallel_loop3A_222 = arith.subi %parallel_loop3A_221, %parallel_loop3A_219 : vector<16xi32>
        %parallel_loop3A_223 = vector.bitcast %parallel_loop3A_222 : vector<16xi32> to vector<16xf32>
        %parallel_loop3A_224 = arith.constant 5.000000e-01 : f32
        %parallel_loop3A_225 = vector.broadcast %parallel_loop3A_224 : f32 to vector<16xf32>
        %parallel_loop3A_226 = arith.mulf %parallel_loop3A_215, %parallel_loop3A_225 : vector<16xf32>
        %parallel_loop3A_227 = arith.mulf %parallel_loop3A_226, %parallel_loop3A_223 : vector<16xf32>
        %parallel_loop3A_228 = arith.mulf %parallel_loop3A_227, %parallel_loop3A_223 : vector<16xf32>
        %parallel_loop3A_229 = arith.constant 1.500000e+00 : f32
        %parallel_loop3A_230 = vector.broadcast %parallel_loop3A_229 : f32 to vector<16xf32>
        %parallel_loop3A_231 = arith.subf %parallel_loop3A_230, %parallel_loop3A_228 : vector<16xf32>
        %parallel_loop3A_232 = arith.mulf %parallel_loop3A_223, %parallel_loop3A_231 : vector<16xf32>
        %parallel_loop3A_233 = arith.mulf %parallel_loop3A_226, %parallel_loop3A_232 : vector<16xf32>
        %parallel_loop3A_234 = arith.mulf %parallel_loop3A_233, %parallel_loop3A_232 : vector<16xf32>
        %parallel_loop3A_235 = arith.constant 1.500000e+00 : f32
        %parallel_loop3A_236 = vector.broadcast %parallel_loop3A_235 : f32 to vector<16xf32>
        %parallel_loop3A_237 = arith.subf %parallel_loop3A_236, %parallel_loop3A_234 : vector<16xf32>
        %parallel_loop3A_238 = arith.mulf %parallel_loop3A_232, %parallel_loop3A_237 : vector<16xf32>
        %parallel_loop3A_239 = arith.mulf %parallel_loop3A_172, %parallel_loop3A_238 : vector<16xf32>
        %parallel_loop3A_240 = arith.index_cast %parallel_loop3A_169 : i32 to index
        %parallel_loop3A_241 = arith.constant 0 : index
        %parallel_loop3A_242 = tpu.vector_load %arg6[%parallel_loop3A_240, %parallel_loop3A_241] {strides = array<i32>} : memref<128x128xf32, #tpu.memory_space<vmem>>, vector<16xf32>,
        tpu.vector_store %arg6[%parallel_loop3A_240, %parallel_loop3A_241], %parallel_loop3A_239 {strides = array<i32>} : memref<128x128xf32, #tpu.memory_space<vmem>>, vector<16xf32>,
        %parallel_loop3A_243 = arith.mulf %parallel_loop3A_176, %parallel_loop3A_238 : vector<16xf32>
        %parallel_loop3A_244 = arith.index_cast %parallel_loop3A_169 : i32 to index
        %parallel_loop3A_245 = arith.constant 16 : index
        %parallel_loop3A_246 = tpu.vector_load %arg6[%parallel_loop3A_244, %parallel_loop3A_245] {strides = array<i32>} : memref<128x128xf32, #tpu.memory_space<vmem>>, vector<16xf32>,
        tpu.vector_store %arg6[%parallel_loop3A_244, %parallel_loop3A_245], %parallel_loop3A_243 {strides = array<i32>} : memref<128x128xf32, #tpu.memory_space<vmem>>, vector<16xf32>,
        %parallel_loop3A_247 = arith.mulf %parallel_loop3A_181, %parallel_loop3A_238 : vector<16xf32>
        %parallel_loop3A_248 = arith.index_cast %parallel_loop3A_169 : i32 to index
        %parallel_loop3A_249 = arith.constant 32 : index
        %parallel_loop3A_250 = tpu.vector_load %arg6[%parallel_loop3A_248, %parallel_loop3A_249] {strides = array<i32>} : memref<128x128xf32, #tpu.memory_space<vmem>>, vector<16xf32>,
        tpu.vector_store %arg6[%parallel_loop3A_248, %parallel_loop3A_249], %parallel_loop3A_247 {strides = array<i32>} : memref<128x128xf32, #tpu.memory_space<vmem>>, vector<16xf32>,
        %parallel_loop3A_251 = arith.mulf %parallel_loop3A_186, %parallel_loop3A_238 : vector<16xf32>
        %parallel_loop3A_252 = arith.index_cast %parallel_loop3A_169 : i32 to index
        %parallel_loop3A_253 = arith.constant 48 : index
        %parallel_loop3A_254 = tpu.vector_load %arg6[%parallel_loop3A_252, %parallel_loop3A_253] {strides = array<i32>} : memref<128x128xf32, #tpu.memory_space<vmem>>, vector<16xf32>,
        tpu.vector_store %arg6[%parallel_loop3A_252, %parallel_loop3A_253], %parallel_loop3A_251 {strides = array<i32>} : memref<128x128xf32, #tpu.memory_space<vmem>>, vector<16xf32>,
        %parallel_loop3A_255 = arith.mulf %parallel_loop3A_191, %parallel_loop3A_238 : vector<16xf32>
        %parallel_loop3A_256 = arith.index_cast %parallel_loop3A_169 : i32 to index
        %parallel_loop3A_257 = arith.constant 64 : index
        %parallel_loop3A_258 = tpu.vector_load %arg6[%parallel_loop3A_256, %parallel_loop3A_257] {strides = array<i32>} : memref<128x128xf32, #tpu.memory_space<vmem>>, vector<16xf32>,
        tpu.vector_store %arg6[%parallel_loop3A_256, %parallel_loop3A_257], %parallel_loop3A_255 {strides = array<i32>} : memref<128x128xf32, #tpu.memory_space<vmem>>, vector<16xf32>,
        %parallel_loop3A_259 = arith.mulf %parallel_loop3A_196, %parallel_loop3A_238 : vector<16xf32>
        %parallel_loop3A_260 = arith.index_cast %parallel_loop3A_169 : i32 to index
        %parallel_loop3A_261 = arith.constant 80 : index
        %parallel_loop3A_262 = tpu.vector_load %arg6[%parallel_loop3A_260, %parallel_loop3A_261] {strides = array<i32>} : memref<128x128xf32, #tpu.memory_space<vmem>>, vector<16xf32>,
        tpu.vector_store %arg6[%parallel_loop3A_260, %parallel_loop3A_261], %parallel_loop3A_259 {strides = array<i32>} : memref<128x128xf32, #tpu.memory_space<vmem>>, vector<16xf32>,
        %parallel_loop3A_263 = arith.mulf %parallel_loop3A_201, %parallel_loop3A_238 : vector<16xf32>
        %parallel_loop3A_264 = arith.index_cast %parallel_loop3A_169 : i32 to index
        %parallel_loop3A_265 = arith.constant 96 : index
        %parallel_loop3A_266 = tpu.vector_load %arg6[%parallel_loop3A_264, %parallel_loop3A_265] {strides = array<i32>} : memref<128x128xf32, #tpu.memory_space<vmem>>, vector<16xf32>,
        tpu.vector_store %arg6[%parallel_loop3A_264, %parallel_loop3A_265], %parallel_loop3A_263 {strides = array<i32>} : memref<128x128xf32, #tpu.memory_space<vmem>>, vector<16xf32>,
        %parallel_loop3A_267 = arith.mulf %parallel_loop3A_206, %parallel_loop3A_238 : vector<16xf32>
        %parallel_loop3A_268 = arith.index_cast %parallel_loop3A_169 : i32 to index
        %parallel_loop3A_269 = arith.constant 112 : index
        %parallel_loop3A_270 = tpu.vector_load %arg6[%parallel_loop3A_268, %parallel_loop3A_269] {strides = array<i32>} : memref<128x128xf32, #tpu.memory_space<vmem>>, vector<16xf32>,
        tpu.vector_store %arg6[%parallel_loop3A_268, %parallel_loop3A_269], %parallel_loop3A_267 {strides = array<i32>} : memref<128x128xf32, #tpu.memory_space<vmem>>, vector<16xf32>,
      } {sc.loop_unroll_factor = 2 : i64, sc.parallel_access}
      %mul3A_46 = arith.constant 128 : i32
      %mul3A_47 = arith.muli %add3A_32, %mul3A_46 : i32
      %add3A_48 = arith.addi %mul3A_2, %mul3A_47 : i32
      %dma_start3A_49 = arith.constant 0 : i32
      %dma_start3A_50 = tpu.memref_slice %arg4[%add3A_48, %dma_start3A_49] : memref<819200x128xf32, #tpu.memory_space<hbm>> -> memref<128x128xf32, #tpu.memory_space<hbm>>
      %dma_start3A_51 = arith.constant 0 : i32
      %dma_start3A_52 = tpu.memref_slice %arg4[%add3A_48, %dma_start3A_51] : memref<819200x128xf32, #tpu.memory_space<hbm>> -> memref<128x128xf32, #tpu.memory_space<hbm>>
      tpu.enqueue_dma source(%arg6 : memref<128x128xf32, #tpu.memory_space<vmem>>) target(%dma_start3A_52 : memref<128x128xf32, #tpu.memory_space<hbm>>) target_semaphore(%arg16 : memref<!tpu.dma_semaphore, #tpu.memory_space<semaphore_mem>>)
      %mul3A_53 = arith.constant 5 : i32
      %mul3A_54 = arith.muli %mul3A_53, %scan3A_28 : i32
      %add3A_55 = arith.constant 1 : i32
      %add3A_56 = arith.addi %mul3A_54, %add3A_55 : i32
      %ge3A_57 = arith.constant 3 : i32
      %ge3A_58 = arith.cmpi sge, %add3A_56, %ge3A_57 : i32
      %convert_element_type3A_59 = arith.extui %ge3A_58 : i1 to i32
      %cond3A_60 = arith.constant 0 : i32
      %cond3A_61 = arith.cmpi ne, %convert_element_type3A_59, %cond3A_60 : i32
      scf.if %cond3A_61 {
        %dma_wait3A_169 = arith.constant 0 : i32
        %dma_wait3A_170 = tpu.memref_slice %arg4[%mul3A_2, %dma_wait3A_169] : memref<819200x128xf32, #tpu.memory_space<hbm>> -> memref<128x128xf32, #tpu.memory_space<hbm>>
        %dma_wait3A_171 = arith.constant 0 : i32
        %dma_wait3A_172 = tpu.memref_slice %arg4[%mul3A_2, %dma_wait3A_171] : memref<819200x128xf32, #tpu.memory_space<hbm>> -> memref<128x128xf32, #tpu.memory_space<hbm>>
        tpu.wait_dma2 semaphore(%arg19 : memref<!tpu.dma_semaphore, #tpu.memory_space<semaphore_mem>>) src(%arg9 : memref<128x128xf32, #tpu.memory_space<vmem>>) dst(%dma_wait3A_172 : memref<128x128xf32, #tpu.memory_space<hbm>>)
      } else {
      }
      %lt3A_62 = arith.constant 198 : i32
      %lt3A_63 = arith.cmpi slt, %add3A_56, %lt3A_62 : i32
      %convert_element_type3A_64 = arith.extui %lt3A_63 : i1 to i32
      %cond3A_65 = arith.constant 0 : i32
      %cond3A_66 = arith.cmpi ne, %convert_element_type3A_64, %cond3A_65 : i32
      scf.if %cond3A_66 {
        %add3A_169 = arith.constant 2 : i32
        %add3A_170 = arith.addi %add3A_56, %add3A_169 : i32
        %mul3A_171 = arith.constant 128 : i32
        %mul3A_172 = arith.muli %add3A_170, %mul3A_171 : i32
        %dma_start3A_173 = tpu.memref_slice %arg5[%mul3A_172] : memref<25600xi32, #tpu.memory_space<vmem>> -> memref<128xi32, #tpu.memory_space<vmem>>
        %dma_start3A_174 = arith.constant 0 : i32
        %dma_start3A_175 = arith.constant 0 : i32
        %dma_start3A_176 = tpu.memref_slice %arg3[%dma_start3A_174, %dma_start3A_175] : memref<100000x128xf32, #tpu.memory_space<hbm>> -> memref<100000x128xf32, #tpu.memory_space<hbm>>
        tpu.enqueue_indirect_dma source(%dma_start3A_176 : memref<100000x128xf32, #tpu.memory_space<hbm>>) target(%arg9 : memref<128x128xf32, #tpu.memory_space<vmem>>) offsets(%dma_start3A_173 : memref<128xi32, #tpu.memory_space<vmem>>) semaphore(%arg14 : memref<!tpu.dma_semaphore, #tpu.memory_space<semaphore_mem>>)
      } else {
      }
      %dma_wait3A_67 = arith.constant 0 : i32
      %dma_wait3A_68 = tpu.memref_slice %arg5[%dma_wait3A_67] : memref<25600xi32, #tpu.memory_space<vmem>> -> memref<128xi32, #tpu.memory_space<vmem>>
      %dma_wait3A_69 = arith.constant 0 : i32
      %dma_wait3A_70 = arith.constant 0 : i32
      %dma_wait3A_71 = tpu.memref_slice %arg3[%dma_wait3A_69, %dma_wait3A_70] : memref<100000x128xf32, #tpu.memory_space<hbm>> -> memref<100000x128xf32, #tpu.memory_space<hbm>>
      tpu.wait_indirect_dma semaphore(%arg12 : memref<!tpu.dma_semaphore, #tpu.memory_space<semaphore_mem>>) src(%dma_wait3A_71 : memref<100000x128xf32, #tpu.memory_space<hbm>>) dst(%arg7 : memref<128x128xf32, #tpu.memory_space<vmem>>)
      %parallel_loop3A_72 = arith.constant 0 : i32
      %parallel_loop3A_73 = arith.constant 128 : i32
      %parallel_loop3A_74 = arith.constant 1 : i32
      scf.for %parallel_loop3A_169 = %parallel_loop3A_72 to %parallel_loop3A_73 step %parallel_loop3A_74  : i32 {
        %parallel_loop3A_170 = arith.index_cast %parallel_loop3A_169 : i32 to index
        %parallel_loop3A_171 = arith.constant 0 : index
        %parallel_loop3A_172 = tpu.vector_load %arg7[%parallel_loop3A_170, %parallel_loop3A_171] {strides = array<i32>} : memref<128x128xf32, #tpu.memory_space<vmem>>, vector<16xf32>,
        %parallel_loop3A_173 = arith.mulf %parallel_loop3A_172, %parallel_loop3A_172 : vector<16xf32>
        %parallel_loop3A_174 = arith.index_cast %parallel_loop3A_169 : i32 to index
        %parallel_loop3A_175 = arith.constant 16 : index
        %parallel_loop3A_176 = tpu.vector_load %arg7[%parallel_loop3A_174, %parallel_loop3A_175] {strides = array<i32>} : memref<128x128xf32, #tpu.memory_space<vmem>>, vector<16xf32>,
        %parallel_loop3A_177 = arith.mulf %parallel_loop3A_176, %parallel_loop3A_176 : vector<16xf32>
        %parallel_loop3A_178 = arith.addf %parallel_loop3A_173, %parallel_loop3A_177 : vector<16xf32>
        %parallel_loop3A_179 = arith.index_cast %parallel_loop3A_169 : i32 to index
        %parallel_loop3A_180 = arith.constant 32 : index
        %parallel_loop3A_181 = tpu.vector_load %arg7[%parallel_loop3A_179, %parallel_loop3A_180] {strides = array<i32>} : memref<128x128xf32, #tpu.memory_space<vmem>>, vector<16xf32>,
        %parallel_loop3A_182 = arith.mulf %parallel_loop3A_181, %parallel_loop3A_181 : vector<16xf32>
        %parallel_loop3A_183 = arith.addf %parallel_loop3A_178, %parallel_loop3A_182 : vector<16xf32>
        %parallel_loop3A_184 = arith.index_cast %parallel_loop3A_169 : i32 to index
        %parallel_loop3A_185 = arith.constant 48 : index
        %parallel_loop3A_186 = tpu.vector_load %arg7[%parallel_loop3A_184, %parallel_loop3A_185] {strides = array<i32>} : memref<128x128xf32, #tpu.memory_space<vmem>>, vector<16xf32>,
        %parallel_loop3A_187 = arith.mulf %parallel_loop3A_186, %parallel_loop3A_186 : vector<16xf32>
        %parallel_loop3A_188 = arith.addf %parallel_loop3A_183, %parallel_loop3A_187 : vector<16xf32>
        %parallel_loop3A_189 = arith.index_cast %parallel_loop3A_169 : i32 to index
        %parallel_loop3A_190 = arith.constant 64 : index
        %parallel_loop3A_191 = tpu.vector_load %arg7[%parallel_loop3A_189, %parallel_loop3A_190] {strides = array<i32>} : memref<128x128xf32, #tpu.memory_space<vmem>>, vector<16xf32>,
        %parallel_loop3A_192 = arith.mulf %parallel_loop3A_191, %parallel_loop3A_191 : vector<16xf32>
        %parallel_loop3A_193 = arith.addf %parallel_loop3A_188, %parallel_loop3A_192 : vector<16xf32>
        %parallel_loop3A_194 = arith.index_cast %parallel_loop3A_169 : i32 to index
        %parallel_loop3A_195 = arith.constant 80 : index
        %parallel_loop3A_196 = tpu.vector_load %arg7[%parallel_loop3A_194, %parallel_loop3A_195] {strides = array<i32>} : memref<128x128xf32, #tpu.memory_space<vmem>>, vector<16xf32>,
        %parallel_loop3A_197 = arith.mulf %parallel_loop3A_196, %parallel_loop3A_196 : vector<16xf32>
        %parallel_loop3A_198 = arith.addf %parallel_loop3A_193, %parallel_loop3A_197 : vector<16xf32>
        %parallel_loop3A_199 = arith.index_cast %parallel_loop3A_169 : i32 to index
        %parallel_loop3A_200 = arith.constant 96 : index
        %parallel_loop3A_201 = tpu.vector_load %arg7[%parallel_loop3A_199, %parallel_loop3A_200] {strides = array<i32>} : memref<128x128xf32, #tpu.memory_space<vmem>>, vector<16xf32>,
        %parallel_loop3A_202 = arith.mulf %parallel_loop3A_201, %parallel_loop3A_201 : vector<16xf32>
        %parallel_loop3A_203 = arith.addf %parallel_loop3A_198, %parallel_loop3A_202 : vector<16xf32>
        %parallel_loop3A_204 = arith.index_cast %parallel_loop3A_169 : i32 to index
        %parallel_loop3A_205 = arith.constant 112 : index
        %parallel_loop3A_206 = tpu.vector_load %arg7[%parallel_loop3A_204, %parallel_loop3A_205] {strides = array<i32>} : memref<128x128xf32, #tpu.memory_space<vmem>>, vector<16xf32>,
        %parallel_loop3A_207 = arith.mulf %parallel_loop3A_206, %parallel_loop3A_206 : vector<16xf32>
        %parallel_loop3A_208 = arith.addf %parallel_loop3A_203, %parallel_loop3A_207 : vector<16xf32>
        %parallel_loop3A_209 = arith.constant true
        %parallel_loop3A_210 = vector.broadcast %parallel_loop3A_209 : i1 to vector<16xi1>
        %parallel_loop3A_211 = tpu.scan <sum>, %parallel_loop3A_208 masked %parallel_loop3A_210 : vector<16xf32>, vector<16xi1> -> vector<16xf32>
        %parallel_loop3A_212 = vector.extract %parallel_loop3A_211[15] : f32 from vector<16xf32>
        %parallel_loop3A_213 = arith.constant 1.000000e-24 : f32
        %parallel_loop3A_214 = arith.maximumf %parallel_loop3A_212, %parallel_loop3A_213 : f32
        %parallel_loop3A_215 = vector.broadcast %parallel_loop3A_214 : f32 to vector<16xf32>
        %parallel_loop3A_216 = vector.bitcast %parallel_loop3A_215 : vector<16xf32> to vector<16xi32>
        %parallel_loop3A_217 = arith.constant 1 : i32
        %parallel_loop3A_218 = vector.broadcast %parallel_loop3A_217 : i32 to vector<16xi32>
        %parallel_loop3A_219 = arith.shrsi %parallel_loop3A_216, %parallel_loop3A_218 : vector<16xi32>
        %parallel_loop3A_220 = arith.constant 1597463007 : i32
        %parallel_loop3A_221 = vector.broadcast %parallel_loop3A_220 : i32 to vector<16xi32>
        %parallel_loop3A_222 = arith.subi %parallel_loop3A_221, %parallel_loop3A_219 : vector<16xi32>
        %parallel_loop3A_223 = vector.bitcast %parallel_loop3A_222 : vector<16xi32> to vector<16xf32>
        %parallel_loop3A_224 = arith.constant 5.000000e-01 : f32
        %parallel_loop3A_225 = vector.broadcast %parallel_loop3A_224 : f32 to vector<16xf32>
        %parallel_loop3A_226 = arith.mulf %parallel_loop3A_215, %parallel_loop3A_225 : vector<16xf32>
        %parallel_loop3A_227 = arith.mulf %parallel_loop3A_226, %parallel_loop3A_223 : vector<16xf32>
        %parallel_loop3A_228 = arith.mulf %parallel_loop3A_227, %parallel_loop3A_223 : vector<16xf32>
        %parallel_loop3A_229 = arith.constant 1.500000e+00 : f32
        %parallel_loop3A_230 = vector.broadcast %parallel_loop3A_229 : f32 to vector<16xf32>
        %parallel_loop3A_231 = arith.subf %parallel_loop3A_230, %parallel_loop3A_228 : vector<16xf32>
        %parallel_loop3A_232 = arith.mulf %parallel_loop3A_223, %parallel_loop3A_231 : vector<16xf32>
        %parallel_loop3A_233 = arith.mulf %parallel_loop3A_226, %parallel_loop3A_232 : vector<16xf32>
        %parallel_loop3A_234 = arith.mulf %parallel_loop3A_233, %parallel_loop3A_232 : vector<16xf32>
        %parallel_loop3A_235 = arith.constant 1.500000e+00 : f32
        %parallel_loop3A_236 = vector.broadcast %parallel_loop3A_235 : f32 to vector<16xf32>
        %parallel_loop3A_237 = arith.subf %parallel_loop3A_236, %parallel_loop3A_234 : vector<16xf32>
        %parallel_loop3A_238 = arith.mulf %parallel_loop3A_232, %parallel_loop3A_237 : vector<16xf32>
        %parallel_loop3A_239 = arith.mulf %parallel_loop3A_172, %parallel_loop3A_238 : vector<16xf32>
        %parallel_loop3A_240 = arith.index_cast %parallel_loop3A_169 : i32 to index
        %parallel_loop3A_241 = arith.constant 0 : index
        %parallel_loop3A_242 = tpu.vector_load %arg7[%parallel_loop3A_240, %parallel_loop3A_241] {strides = array<i32>} : memref<128x128xf32, #tpu.memory_space<vmem>>, vector<16xf32>,
        tpu.vector_store %arg7[%parallel_loop3A_240, %parallel_loop3A_241], %parallel_loop3A_239 {strides = array<i32>} : memref<128x128xf32, #tpu.memory_space<vmem>>, vector<16xf32>,
        %parallel_loop3A_243 = arith.mulf %parallel_loop3A_176, %parallel_loop3A_238 : vector<16xf32>
        %parallel_loop3A_244 = arith.index_cast %parallel_loop3A_169 : i32 to index
        %parallel_loop3A_245 = arith.constant 16 : index
        %parallel_loop3A_246 = tpu.vector_load %arg7[%parallel_loop3A_244, %parallel_loop3A_245] {strides = array<i32>} : memref<128x128xf32, #tpu.memory_space<vmem>>, vector<16xf32>,
        tpu.vector_store %arg7[%parallel_loop3A_244, %parallel_loop3A_245], %parallel_loop3A_243 {strides = array<i32>} : memref<128x128xf32, #tpu.memory_space<vmem>>, vector<16xf32>,
        %parallel_loop3A_247 = arith.mulf %parallel_loop3A_181, %parallel_loop3A_238 : vector<16xf32>
        %parallel_loop3A_248 = arith.index_cast %parallel_loop3A_169 : i32 to index
        %parallel_loop3A_249 = arith.constant 32 : index
        %parallel_loop3A_250 = tpu.vector_load %arg7[%parallel_loop3A_248, %parallel_loop3A_249] {strides = array<i32>} : memref<128x128xf32, #tpu.memory_space<vmem>>, vector<16xf32>,
        tpu.vector_store %arg7[%parallel_loop3A_248, %parallel_loop3A_249], %parallel_loop3A_247 {strides = array<i32>} : memref<128x128xf32, #tpu.memory_space<vmem>>, vector<16xf32>,
        %parallel_loop3A_251 = arith.mulf %parallel_loop3A_186, %parallel_loop3A_238 : vector<16xf32>
        %parallel_loop3A_252 = arith.index_cast %parallel_loop3A_169 : i32 to index
        %parallel_loop3A_253 = arith.constant 48 : index
        %parallel_loop3A_254 = tpu.vector_load %arg7[%parallel_loop3A_252, %parallel_loop3A_253] {strides = array<i32>} : memref<128x128xf32, #tpu.memory_space<vmem>>, vector<16xf32>,
        tpu.vector_store %arg7[%parallel_loop3A_252, %parallel_loop3A_253], %parallel_loop3A_251 {strides = array<i32>} : memref<128x128xf32, #tpu.memory_space<vmem>>, vector<16xf32>,
        %parallel_loop3A_255 = arith.mulf %parallel_loop3A_191, %parallel_loop3A_238 : vector<16xf32>
        %parallel_loop3A_256 = arith.index_cast %parallel_loop3A_169 : i32 to index
        %parallel_loop3A_257 = arith.constant 64 : index
        %parallel_loop3A_258 = tpu.vector_load %arg7[%parallel_loop3A_256, %parallel_loop3A_257] {strides = array<i32>} : memref<128x128xf32, #tpu.memory_space<vmem>>, vector<16xf32>,
        tpu.vector_store %arg7[%parallel_loop3A_256, %parallel_loop3A_257], %parallel_loop3A_255 {strides = array<i32>} : memref<128x128xf32, #tpu.memory_space<vmem>>, vector<16xf32>,
        %parallel_loop3A_259 = arith.mulf %parallel_loop3A_196, %parallel_loop3A_238 : vector<16xf32>
        %parallel_loop3A_260 = arith.index_cast %parallel_loop3A_169 : i32 to index
        %parallel_loop3A_261 = arith.constant 80 : index
        %parallel_loop3A_262 = tpu.vector_load %arg7[%parallel_loop3A_260, %parallel_loop3A_261] {strides = array<i32>} : memref<128x128xf32, #tpu.memory_space<vmem>>, vector<16xf32>,
        tpu.vector_store %arg7[%parallel_loop3A_260, %parallel_loop3A_261], %parallel_loop3A_259 {strides = array<i32>} : memref<128x128xf32, #tpu.memory_space<vmem>>, vector<16xf32>,
        %parallel_loop3A_263 = arith.mulf %parallel_loop3A_201, %parallel_loop3A_238 : vector<16xf32>
        %parallel_loop3A_264 = arith.index_cast %parallel_loop3A_169 : i32 to index
        %parallel_loop3A_265 = arith.constant 96 : index
        %parallel_loop3A_266 = tpu.vector_load %arg7[%parallel_loop3A_264, %parallel_loop3A_265] {strides = array<i32>} : memref<128x128xf32, #tpu.memory_space<vmem>>, vector<16xf32>,
        tpu.vector_store %arg7[%parallel_loop3A_264, %parallel_loop3A_265], %parallel_loop3A_263 {strides = array<i32>} : memref<128x128xf32, #tpu.memory_space<vmem>>, vector<16xf32>,
        %parallel_loop3A_267 = arith.mulf %parallel_loop3A_206, %parallel_loop3A_238 : vector<16xf32>
        %parallel_loop3A_268 = arith.index_cast %parallel_loop3A_169 : i32 to index
        %parallel_loop3A_269 = arith.constant 112 : index
        %parallel_loop3A_270 = tpu.vector_load %arg7[%parallel_loop3A_268, %parallel_loop3A_269] {strides = array<i32>} : memref<128x128xf32, #tpu.memory_space<vmem>>, vector<16xf32>,
        tpu.vector_store %arg7[%parallel_loop3A_268, %parallel_loop3A_269], %parallel_loop3A_267 {strides = array<i32>} : memref<128x128xf32, #tpu.memory_space<vmem>>, vector<16xf32>,
      } {sc.loop_unroll_factor = 2 : i64, sc.parallel_access}
      %mul3A_75 = arith.constant 128 : i32
      %mul3A_76 = arith.muli %add3A_56, %mul3A_75 : i32
      %add3A_77 = arith.addi %mul3A_2, %mul3A_76 : i32
      %dma_start3A_78 = arith.constant 0 : i32
      %dma_start3A_79 = tpu.memref_slice %arg4[%add3A_77, %dma_start3A_78] : memref<819200x128xf32, #tpu.memory_space<hbm>> -> memref<128x128xf32, #tpu.memory_space<hbm>>
      %dma_start3A_80 = arith.constant 0 : i32
      %dma_start3A_81 = tpu.memref_slice %arg4[%add3A_77, %dma_start3A_80] : memref<819200x128xf32, #tpu.memory_space<hbm>> -> memref<128x128xf32, #tpu.memory_space<hbm>>
      tpu.enqueue_dma source(%arg7 : memref<128x128xf32, #tpu.memory_space<vmem>>) target(%dma_start3A_81 : memref<128x128xf32, #tpu.memory_space<hbm>>) target_semaphore(%arg17 : memref<!tpu.dma_semaphore, #tpu.memory_space<semaphore_mem>>)
      %mul3A_82 = arith.constant 5 : i32
      %mul3A_83 = arith.muli %mul3A_82, %scan3A_28 : i32
      %add3A_84 = arith.constant 2 : i32
      %add3A_85 = arith.addi %mul3A_83, %add3A_84 : i32
      %ge3A_86 = arith.constant 3 : i32
      %ge3A_87 = arith.cmpi sge, %add3A_85, %ge3A_86 : i32
      %convert_element_type3A_88 = arith.extui %ge3A_87 : i1 to i32
      %cond3A_89 = arith.constant 0 : i32
      %cond3A_90 = arith.cmpi ne, %convert_element_type3A_88, %cond3A_89 : i32
      scf.if %cond3A_90 {
        %dma_wait3A_169 = arith.constant 0 : i32
        %dma_wait3A_170 = tpu.memref_slice %arg4[%mul3A_2, %dma_wait3A_169] : memref<819200x128xf32, #tpu.memory_space<hbm>> -> memref<128x128xf32, #tpu.memory_space<hbm>>
        %dma_wait3A_171 = arith.constant 0 : i32
        %dma_wait3A_172 = tpu.memref_slice %arg4[%mul3A_2, %dma_wait3A_171] : memref<819200x128xf32, #tpu.memory_space<hbm>> -> memref<128x128xf32, #tpu.memory_space<hbm>>
        tpu.wait_dma2 semaphore(%arg20 : memref<!tpu.dma_semaphore, #tpu.memory_space<semaphore_mem>>) src(%arg10 : memref<128x128xf32, #tpu.memory_space<vmem>>) dst(%dma_wait3A_172 : memref<128x128xf32, #tpu.memory_space<hbm>>)
      } else {
      }
      %lt3A_91 = arith.constant 198 : i32
      %lt3A_92 = arith.cmpi slt, %add3A_85, %lt3A_91 : i32
      %convert_element_type3A_93 = arith.extui %lt3A_92 : i1 to i32
      %cond3A_94 = arith.constant 0 : i32
      %cond3A_95 = arith.cmpi ne, %convert_element_type3A_93, %cond3A_94 : i32
      scf.if %cond3A_95 {
        %add3A_169 = arith.constant 2 : i32
        %add3A_170 = arith.addi %add3A_85, %add3A_169 : i32
        %mul3A_171 = arith.constant 128 : i32
        %mul3A_172 = arith.muli %add3A_170, %mul3A_171 : i32
        %dma_start3A_173 = tpu.memref_slice %arg5[%mul3A_172] : memref<25600xi32, #tpu.memory_space<vmem>> -> memref<128xi32, #tpu.memory_space<vmem>>
        %dma_start3A_174 = arith.constant 0 : i32
        %dma_start3A_175 = arith.constant 0 : i32
        %dma_start3A_176 = tpu.memref_slice %arg3[%dma_start3A_174, %dma_start3A_175] : memref<100000x128xf32, #tpu.memory_space<hbm>> -> memref<100000x128xf32, #tpu.memory_space<hbm>>
        tpu.enqueue_indirect_dma source(%dma_start3A_176 : memref<100000x128xf32, #tpu.memory_space<hbm>>) target(%arg10 : memref<128x128xf32, #tpu.memory_space<vmem>>) offsets(%dma_start3A_173 : memref<128xi32, #tpu.memory_space<vmem>>) semaphore(%arg15 : memref<!tpu.dma_semaphore, #tpu.memory_space<semaphore_mem>>)
      } else {
      }
      %dma_wait3A_96 = arith.constant 0 : i32
      %dma_wait3A_97 = tpu.memref_slice %arg5[%dma_wait3A_96] : memref<25600xi32, #tpu.memory_space<vmem>> -> memref<128xi32, #tpu.memory_space<vmem>>
      %dma_wait3A_98 = arith.constant 0 : i32
      %dma_wait3A_99 = arith.constant 0 : i32
      %dma_wait3A_100 = tpu.memref_slice %arg3[%dma_wait3A_98, %dma_wait3A_99] : memref<100000x128xf32, #tpu.memory_space<hbm>> -> memref<100000x128xf32, #tpu.memory_space<hbm>>
      tpu.wait_indirect_dma semaphore(%arg13 : memref<!tpu.dma_semaphore, #tpu.memory_space<semaphore_mem>>) src(%dma_wait3A_100 : memref<100000x128xf32, #tpu.memory_space<hbm>>) dst(%arg8 : memref<128x128xf32, #tpu.memory_space<vmem>>)
      %parallel_loop3A_101 = arith.constant 0 : i32
      %parallel_loop3A_102 = arith.constant 128 : i32
      %parallel_loop3A_103 = arith.constant 1 : i32
      scf.for %parallel_loop3A_169 = %parallel_loop3A_101 to %parallel_loop3A_102 step %parallel_loop3A_103  : i32 {
        %parallel_loop3A_170 = arith.index_cast %parallel_loop3A_169 : i32 to index
        %parallel_loop3A_171 = arith.constant 0 : index
        %parallel_loop3A_172 = tpu.vector_load %arg8[%parallel_loop3A_170, %parallel_loop3A_171] {strides = array<i32>} : memref<128x128xf32, #tpu.memory_space<vmem>>, vector<16xf32>,
        %parallel_loop3A_173 = arith.mulf %parallel_loop3A_172, %parallel_loop3A_172 : vector<16xf32>
        %parallel_loop3A_174 = arith.index_cast %parallel_loop3A_169 : i32 to index
        %parallel_loop3A_175 = arith.constant 16 : index
        %parallel_loop3A_176 = tpu.vector_load %arg8[%parallel_loop3A_174, %parallel_loop3A_175] {strides = array<i32>} : memref<128x128xf32, #tpu.memory_space<vmem>>, vector<16xf32>,
        %parallel_loop3A_177 = arith.mulf %parallel_loop3A_176, %parallel_loop3A_176 : vector<16xf32>
        %parallel_loop3A_178 = arith.addf %parallel_loop3A_173, %parallel_loop3A_177 : vector<16xf32>
        %parallel_loop3A_179 = arith.index_cast %parallel_loop3A_169 : i32 to index
        %parallel_loop3A_180 = arith.constant 32 : index
        %parallel_loop3A_181 = tpu.vector_load %arg8[%parallel_loop3A_179, %parallel_loop3A_180] {strides = array<i32>} : memref<128x128xf32, #tpu.memory_space<vmem>>, vector<16xf32>,
        %parallel_loop3A_182 = arith.mulf %parallel_loop3A_181, %parallel_loop3A_181 : vector<16xf32>
        %parallel_loop3A_183 = arith.addf %parallel_loop3A_178, %parallel_loop3A_182 : vector<16xf32>
        %parallel_loop3A_184 = arith.index_cast %parallel_loop3A_169 : i32 to index
        %parallel_loop3A_185 = arith.constant 48 : index
        %parallel_loop3A_186 = tpu.vector_load %arg8[%parallel_loop3A_184, %parallel_loop3A_185] {strides = array<i32>} : memref<128x128xf32, #tpu.memory_space<vmem>>, vector<16xf32>,
        %parallel_loop3A_187 = arith.mulf %parallel_loop3A_186, %parallel_loop3A_186 : vector<16xf32>
        %parallel_loop3A_188 = arith.addf %parallel_loop3A_183, %parallel_loop3A_187 : vector<16xf32>
        %parallel_loop3A_189 = arith.index_cast %parallel_loop3A_169 : i32 to index
        %parallel_loop3A_190 = arith.constant 64 : index
        %parallel_loop3A_191 = tpu.vector_load %arg8[%parallel_loop3A_189, %parallel_loop3A_190] {strides = array<i32>} : memref<128x128xf32, #tpu.memory_space<vmem>>, vector<16xf32>,
        %parallel_loop3A_192 = arith.mulf %parallel_loop3A_191, %parallel_loop3A_191 : vector<16xf32>
        %parallel_loop3A_193 = arith.addf %parallel_loop3A_188, %parallel_loop3A_192 : vector<16xf32>
        %parallel_loop3A_194 = arith.index_cast %parallel_loop3A_169 : i32 to index
        %parallel_loop3A_195 = arith.constant 80 : index
        %parallel_loop3A_196 = tpu.vector_load %arg8[%parallel_loop3A_194, %parallel_loop3A_195] {strides = array<i32>} : memref<128x128xf32, #tpu.memory_space<vmem>>, vector<16xf32>,
        %parallel_loop3A_197 = arith.mulf %parallel_loop3A_196, %parallel_loop3A_196 : vector<16xf32>
        %parallel_loop3A_198 = arith.addf %parallel_loop3A_193, %parallel_loop3A_197 : vector<16xf32>
        %parallel_loop3A_199 = arith.index_cast %parallel_loop3A_169 : i32 to index
        %parallel_loop3A_200 = arith.constant 96 : index
        %parallel_loop3A_201 = tpu.vector_load %arg8[%parallel_loop3A_199, %parallel_loop3A_200] {strides = array<i32>} : memref<128x128xf32, #tpu.memory_space<vmem>>, vector<16xf32>,
        %parallel_loop3A_202 = arith.mulf %parallel_loop3A_201, %parallel_loop3A_201 : vector<16xf32>
        %parallel_loop3A_203 = arith.addf %parallel_loop3A_198, %parallel_loop3A_202 : vector<16xf32>
        %parallel_loop3A_204 = arith.index_cast %parallel_loop3A_169 : i32 to index
        %parallel_loop3A_205 = arith.constant 112 : index
        %parallel_loop3A_206 = tpu.vector_load %arg8[%parallel_loop3A_204, %parallel_loop3A_205] {strides = array<i32>} : memref<128x128xf32, #tpu.memory_space<vmem>>, vector<16xf32>,
        %parallel_loop3A_207 = arith.mulf %parallel_loop3A_206, %parallel_loop3A_206 : vector<16xf32>
        %parallel_loop3A_208 = arith.addf %parallel_loop3A_203, %parallel_loop3A_207 : vector<16xf32>
        %parallel_loop3A_209 = arith.constant true
        %parallel_loop3A_210 = vector.broadcast %parallel_loop3A_209 : i1 to vector<16xi1>
        %parallel_loop3A_211 = tpu.scan <sum>, %parallel_loop3A_208 masked %parallel_loop3A_210 : vector<16xf32>, vector<16xi1> -> vector<16xf32>
        %parallel_loop3A_212 = vector.extract %parallel_loop3A_211[15] : f32 from vector<16xf32>
        %parallel_loop3A_213 = arith.constant 1.000000e-24 : f32
        %parallel_loop3A_214 = arith.maximumf %parallel_loop3A_212, %parallel_loop3A_213 : f32
        %parallel_loop3A_215 = vector.broadcast %parallel_loop3A_214 : f32 to vector<16xf32>
        %parallel_loop3A_216 = vector.bitcast %parallel_loop3A_215 : vector<16xf32> to vector<16xi32>
        %parallel_loop3A_217 = arith.constant 1 : i32
        %parallel_loop3A_218 = vector.broadcast %parallel_loop3A_217 : i32 to vector<16xi32>
        %parallel_loop3A_219 = arith.shrsi %parallel_loop3A_216, %parallel_loop3A_218 : vector<16xi32>
        %parallel_loop3A_220 = arith.constant 1597463007 : i32
        %parallel_loop3A_221 = vector.broadcast %parallel_loop3A_220 : i32 to vector<16xi32>
        %parallel_loop3A_222 = arith.subi %parallel_loop3A_221, %parallel_loop3A_219 : vector<16xi32>
        %parallel_loop3A_223 = vector.bitcast %parallel_loop3A_222 : vector<16xi32> to vector<16xf32>
        %parallel_loop3A_224 = arith.constant 5.000000e-01 : f32
        %parallel_loop3A_225 = vector.broadcast %parallel_loop3A_224 : f32 to vector<16xf32>
        %parallel_loop3A_226 = arith.mulf %parallel_loop3A_215, %parallel_loop3A_225 : vector<16xf32>
        %parallel_loop3A_227 = arith.mulf %parallel_loop3A_226, %parallel_loop3A_223 : vector<16xf32>
        %parallel_loop3A_228 = arith.mulf %parallel_loop3A_227, %parallel_loop3A_223 : vector<16xf32>
        %parallel_loop3A_229 = arith.constant 1.500000e+00 : f32
        %parallel_loop3A_230 = vector.broadcast %parallel_loop3A_229 : f32 to vector<16xf32>
        %parallel_loop3A_231 = arith.subf %parallel_loop3A_230, %parallel_loop3A_228 : vector<16xf32>
        %parallel_loop3A_232 = arith.mulf %parallel_loop3A_223, %parallel_loop3A_231 : vector<16xf32>
        %parallel_loop3A_233 = arith.mulf %parallel_loop3A_226, %parallel_loop3A_232 : vector<16xf32>
        %parallel_loop3A_234 = arith.mulf %parallel_loop3A_233, %parallel_loop3A_232 : vector<16xf32>
        %parallel_loop3A_235 = arith.constant 1.500000e+00 : f32
        %parallel_loop3A_236 = vector.broadcast %parallel_loop3A_235 : f32 to vector<16xf32>
        %parallel_loop3A_237 = arith.subf %parallel_loop3A_236, %parallel_loop3A_234 : vector<16xf32>
        %parallel_loop3A_238 = arith.mulf %parallel_loop3A_232, %parallel_loop3A_237 : vector<16xf32>
        %parallel_loop3A_239 = arith.mulf %parallel_loop3A_172, %parallel_loop3A_238 : vector<16xf32>
        %parallel_loop3A_240 = arith.index_cast %parallel_loop3A_169 : i32 to index
        %parallel_loop3A_241 = arith.constant 0 : index
        %parallel_loop3A_242 = tpu.vector_load %arg8[%parallel_loop3A_240, %parallel_loop3A_241] {strides = array<i32>} : memref<128x128xf32, #tpu.memory_space<vmem>>, vector<16xf32>,
        tpu.vector_store %arg8[%parallel_loop3A_240, %parallel_loop3A_241], %parallel_loop3A_239 {strides = array<i32>} : memref<128x128xf32, #tpu.memory_space<vmem>>, vector<16xf32>,
        %parallel_loop3A_243 = arith.mulf %parallel_loop3A_176, %parallel_loop3A_238 : vector<16xf32>
        %parallel_loop3A_244 = arith.index_cast %parallel_loop3A_169 : i32 to index
        %parallel_loop3A_245 = arith.constant 16 : index
        %parallel_loop3A_246 = tpu.vector_load %arg8[%parallel_loop3A_244, %parallel_loop3A_245] {strides = array<i32>} : memref<128x128xf32, #tpu.memory_space<vmem>>, vector<16xf32>,
        tpu.vector_store %arg8[%parallel_loop3A_244, %parallel_loop3A_245], %parallel_loop3A_243 {strides = array<i32>} : memref<128x128xf32, #tpu.memory_space<vmem>>, vector<16xf32>,
        %parallel_loop3A_247 = arith.mulf %parallel_loop3A_181, %parallel_loop3A_238 : vector<16xf32>
        %parallel_loop3A_248 = arith.index_cast %parallel_loop3A_169 : i32 to index
        %parallel_loop3A_249 = arith.constant 32 : index
        %parallel_loop3A_250 = tpu.vector_load %arg8[%parallel_loop3A_248, %parallel_loop3A_249] {strides = array<i32>} : memref<128x128xf32, #tpu.memory_space<vmem>>, vector<16xf32>,
        tpu.vector_store %arg8[%parallel_loop3A_248, %parallel_loop3A_249], %parallel_loop3A_247 {strides = array<i32>} : memref<128x128xf32, #tpu.memory_space<vmem>>, vector<16xf32>,
        %parallel_loop3A_251 = arith.mulf %parallel_loop3A_186, %parallel_loop3A_238 : vector<16xf32>
        %parallel_loop3A_252 = arith.index_cast %parallel_loop3A_169 : i32 to index
        %parallel_loop3A_253 = arith.constant 48 : index
        %parallel_loop3A_254 = tpu.vector_load %arg8[%parallel_loop3A_252, %parallel_loop3A_253] {strides = array<i32>} : memref<128x128xf32, #tpu.memory_space<vmem>>, vector<16xf32>,
        tpu.vector_store %arg8[%parallel_loop3A_252, %parallel_loop3A_253], %parallel_loop3A_251 {strides = array<i32>} : memref<128x128xf32, #tpu.memory_space<vmem>>, vector<16xf32>,
        %parallel_loop3A_255 = arith.mulf %parallel_loop3A_191, %parallel_loop3A_238 : vector<16xf32>
        %parallel_loop3A_256 = arith.index_cast %parallel_loop3A_169 : i32 to index
        %parallel_loop3A_257 = arith.constant 64 : index
        %parallel_loop3A_258 = tpu.vector_load %arg8[%parallel_loop3A_256, %parallel_loop3A_257] {strides = array<i32>} : memref<128x128xf32, #tpu.memory_space<vmem>>, vector<16xf32>,
        tpu.vector_store %arg8[%parallel_loop3A_256, %parallel_loop3A_257], %parallel_loop3A_255 {strides = array<i32>} : memref<128x128xf32, #tpu.memory_space<vmem>>, vector<16xf32>,
        %parallel_loop3A_259 = arith.mulf %parallel_loop3A_196, %parallel_loop3A_238 : vector<16xf32>
        %parallel_loop3A_260 = arith.index_cast %parallel_loop3A_169 : i32 to index
        %parallel_loop3A_261 = arith.constant 80 : index
        %parallel_loop3A_262 = tpu.vector_load %arg8[%parallel_loop3A_260, %parallel_loop3A_261] {strides = array<i32>} : memref<128x128xf32, #tpu.memory_space<vmem>>, vector<16xf32>,
        tpu.vector_store %arg8[%parallel_loop3A_260, %parallel_loop3A_261], %parallel_loop3A_259 {strides = array<i32>} : memref<128x128xf32, #tpu.memory_space<vmem>>, vector<16xf32>,
        %parallel_loop3A_263 = arith.mulf %parallel_loop3A_201, %parallel_loop3A_238 : vector<16xf32>
        %parallel_loop3A_264 = arith.index_cast %parallel_loop3A_169 : i32 to index
        %parallel_loop3A_265 = arith.constant 96 : index
        %parallel_loop3A_266 = tpu.vector_load %arg8[%parallel_loop3A_264, %parallel_loop3A_265] {strides = array<i32>} : memref<128x128xf32, #tpu.memory_space<vmem>>, vector<16xf32>,
        tpu.vector_store %arg8[%parallel_loop3A_264, %parallel_loop3A_265], %parallel_loop3A_263 {strides = array<i32>} : memref<128x128xf32, #tpu.memory_space<vmem>>, vector<16xf32>,
        %parallel_loop3A_267 = arith.mulf %parallel_loop3A_206, %parallel_loop3A_238 : vector<16xf32>
        %parallel_loop3A_268 = arith.index_cast %parallel_loop3A_169 : i32 to index
        %parallel_loop3A_269 = arith.constant 112 : index
        %parallel_loop3A_270 = tpu.vector_load %arg8[%parallel_loop3A_268, %parallel_loop3A_269] {strides = array<i32>} : memref<128x128xf32, #tpu.memory_space<vmem>>, vector<16xf32>,
        tpu.vector_store %arg8[%parallel_loop3A_268, %parallel_loop3A_269], %parallel_loop3A_267 {strides = array<i32>} : memref<128x128xf32, #tpu.memory_space<vmem>>, vector<16xf32>,
      } {sc.loop_unroll_factor = 2 : i64, sc.parallel_access}
      %mul3A_104 = arith.constant 128 : i32
      %mul3A_105 = arith.muli %add3A_85, %mul3A_104 : i32
      %add3A_106 = arith.addi %mul3A_2, %mul3A_105 : i32
      %dma_start3A_107 = arith.constant 0 : i32
      %dma_start3A_108 = tpu.memref_slice %arg4[%add3A_106, %dma_start3A_107] : memref<819200x128xf32, #tpu.memory_space<hbm>> -> memref<128x128xf32, #tpu.memory_space<hbm>>
      %dma_start3A_109 = arith.constant 0 : i32
      %dma_start3A_110 = tpu.memref_slice %arg4[%add3A_106, %dma_start3A_109] : memref<819200x128xf32, #tpu.memory_space<hbm>> -> memref<128x128xf32, #tpu.memory_space<hbm>>
      tpu.enqueue_dma source(%arg8 : memref<128x128xf32, #tpu.memory_space<vmem>>) target(%dma_start3A_110 : memref<128x128xf32, #tpu.memory_space<hbm>>) target_semaphore(%arg18 : memref<!tpu.dma_semaphore, #tpu.memory_space<semaphore_mem>>)
      %mul3A_111 = arith.constant 5 : i32
      %mul3A_112 = arith.muli %mul3A_111, %scan3A_28 : i32
      %add3A_113 = arith.constant 3 : i32
      %add3A_114 = arith.addi %mul3A_112, %add3A_113 : i32
      %ge3A_115 = arith.constant 3 : i32
      %ge3A_116 = arith.cmpi sge, %add3A_114, %ge3A_115 : i32
      %convert_element_type3A_117 = arith.extui %ge3A_116 : i1 to i32
      %cond3A_118 = arith.constant 0 : i32
      %cond3A_119 = arith.cmpi ne, %convert_element_type3A_117, %cond3A_118 : i32
      scf.if %cond3A_119 {
        %dma_wait3A_169 = arith.constant 0 : i32
        %dma_wait3A_170 = tpu.memref_slice %arg4[%mul3A_2, %dma_wait3A_169] : memref<819200x128xf32, #tpu.memory_space<hbm>> -> memref<128x128xf32, #tpu.memory_space<hbm>>
        %dma_wait3A_171 = arith.constant 0 : i32
        %dma_wait3A_172 = tpu.memref_slice %arg4[%mul3A_2, %dma_wait3A_171] : memref<819200x128xf32, #tpu.memory_space<hbm>> -> memref<128x128xf32, #tpu.memory_space<hbm>>
        tpu.wait_dma2 semaphore(%arg16 : memref<!tpu.dma_semaphore, #tpu.memory_space<semaphore_mem>>) src(%arg6 : memref<128x128xf32, #tpu.memory_space<vmem>>) dst(%dma_wait3A_172 : memref<128x128xf32, #tpu.memory_space<hbm>>)
      } else {
      }
      %lt3A_120 = arith.constant 198 : i32
      %lt3A_121 = arith.cmpi slt, %add3A_114, %lt3A_120 : i32
      %convert_element_type3A_122 = arith.extui %lt3A_121 : i1 to i32
      %cond3A_123 = arith.constant 0 : i32
      %cond3A_124 = arith.cmpi ne, %convert_element_type3A_122, %cond3A_123 : i32
      scf.if %cond3A_124 {
        %add3A_169 = arith.constant 2 : i32
        %add3A_170 = arith.addi %add3A_114, %add3A_169 : i32
        %mul3A_171 = arith.constant 128 : i32
        %mul3A_172 = arith.muli %add3A_170, %mul3A_171 : i32
        %dma_start3A_173 = tpu.memref_slice %arg5[%mul3A_172] : memref<25600xi32, #tpu.memory_space<vmem>> -> memref<128xi32, #tpu.memory_space<vmem>>
        %dma_start3A_174 = arith.constant 0 : i32
        %dma_start3A_175 = arith.constant 0 : i32
        %dma_start3A_176 = tpu.memref_slice %arg3[%dma_start3A_174, %dma_start3A_175] : memref<100000x128xf32, #tpu.memory_space<hbm>> -> memref<100000x128xf32, #tpu.memory_space<hbm>>
        tpu.enqueue_indirect_dma source(%dma_start3A_176 : memref<100000x128xf32, #tpu.memory_space<hbm>>) target(%arg6 : memref<128x128xf32, #tpu.memory_space<vmem>>) offsets(%dma_start3A_173 : memref<128xi32, #tpu.memory_space<vmem>>) semaphore(%arg11 : memref<!tpu.dma_semaphore, #tpu.memory_space<semaphore_mem>>)
      } else {
      }
      %dma_wait3A_125 = arith.constant 0 : i32
      %dma_wait3A_126 = tpu.memref_slice %arg5[%dma_wait3A_125] : memref<25600xi32, #tpu.memory_space<vmem>> -> memref<128xi32, #tpu.memory_space<vmem>>
      %dma_wait3A_127 = arith.constant 0 : i32
      %dma_wait3A_128 = arith.constant 0 : i32
      %dma_wait3A_129 = tpu.memref_slice %arg3[%dma_wait3A_127, %dma_wait3A_128] : memref<100000x128xf32, #tpu.memory_space<hbm>> -> memref<100000x128xf32, #tpu.memory_space<hbm>>
      tpu.wait_indirect_dma semaphore(%arg14 : memref<!tpu.dma_semaphore, #tpu.memory_space<semaphore_mem>>) src(%dma_wait3A_129 : memref<100000x128xf32, #tpu.memory_space<hbm>>) dst(%arg9 : memref<128x128xf32, #tpu.memory_space<vmem>>)
      %parallel_loop3A_130 = arith.constant 0 : i32
      %parallel_loop3A_131 = arith.constant 128 : i32
      %parallel_loop3A_132 = arith.constant 1 : i32
      scf.for %parallel_loop3A_169 = %parallel_loop3A_130 to %parallel_loop3A_131 step %parallel_loop3A_132  : i32 {
        %parallel_loop3A_170 = arith.index_cast %parallel_loop3A_169 : i32 to index
        %parallel_loop3A_171 = arith.constant 0 : index
        %parallel_loop3A_172 = tpu.vector_load %arg9[%parallel_loop3A_170, %parallel_loop3A_171] {strides = array<i32>} : memref<128x128xf32, #tpu.memory_space<vmem>>, vector<16xf32>,
        %parallel_loop3A_173 = arith.mulf %parallel_loop3A_172, %parallel_loop3A_172 : vector<16xf32>
        %parallel_loop3A_174 = arith.index_cast %parallel_loop3A_169 : i32 to index
        %parallel_loop3A_175 = arith.constant 16 : index
        %parallel_loop3A_176 = tpu.vector_load %arg9[%parallel_loop3A_174, %parallel_loop3A_175] {strides = array<i32>} : memref<128x128xf32, #tpu.memory_space<vmem>>, vector<16xf32>,
        %parallel_loop3A_177 = arith.mulf %parallel_loop3A_176, %parallel_loop3A_176 : vector<16xf32>
        %parallel_loop3A_178 = arith.addf %parallel_loop3A_173, %parallel_loop3A_177 : vector<16xf32>
        %parallel_loop3A_179 = arith.index_cast %parallel_loop3A_169 : i32 to index
        %parallel_loop3A_180 = arith.constant 32 : index
        %parallel_loop3A_181 = tpu.vector_load %arg9[%parallel_loop3A_179, %parallel_loop3A_180] {strides = array<i32>} : memref<128x128xf32, #tpu.memory_space<vmem>>, vector<16xf32>,
        %parallel_loop3A_182 = arith.mulf %parallel_loop3A_181, %parallel_loop3A_181 : vector<16xf32>
        %parallel_loop3A_183 = arith.addf %parallel_loop3A_178, %parallel_loop3A_182 : vector<16xf32>
        %parallel_loop3A_184 = arith.index_cast %parallel_loop3A_169 : i32 to index
        %parallel_loop3A_185 = arith.constant 48 : index
        %parallel_loop3A_186 = tpu.vector_load %arg9[%parallel_loop3A_184, %parallel_loop3A_185] {strides = array<i32>} : memref<128x128xf32, #tpu.memory_space<vmem>>, vector<16xf32>,
        %parallel_loop3A_187 = arith.mulf %parallel_loop3A_186, %parallel_loop3A_186 : vector<16xf32>
        %parallel_loop3A_188 = arith.addf %parallel_loop3A_183, %parallel_loop3A_187 : vector<16xf32>
        %parallel_loop3A_189 = arith.index_cast %parallel_loop3A_169 : i32 to index
        %parallel_loop3A_190 = arith.constant 64 : index
        %parallel_loop3A_191 = tpu.vector_load %arg9[%parallel_loop3A_189, %parallel_loop3A_190] {strides = array<i32>} : memref<128x128xf32, #tpu.memory_space<vmem>>, vector<16xf32>,
        %parallel_loop3A_192 = arith.mulf %parallel_loop3A_191, %parallel_loop3A_191 : vector<16xf32>
        %parallel_loop3A_193 = arith.addf %parallel_loop3A_188, %parallel_loop3A_192 : vector<16xf32>
        %parallel_loop3A_194 = arith.index_cast %parallel_loop3A_169 : i32 to index
        %parallel_loop3A_195 = arith.constant 80 : index
        %parallel_loop3A_196 = tpu.vector_load %arg9[%parallel_loop3A_194, %parallel_loop3A_195] {strides = array<i32>} : memref<128x128xf32, #tpu.memory_space<vmem>>, vector<16xf32>,
        %parallel_loop3A_197 = arith.mulf %parallel_loop3A_196, %parallel_loop3A_196 : vector<16xf32>
        %parallel_loop3A_198 = arith.addf %parallel_loop3A_193, %parallel_loop3A_197 : vector<16xf32>
        %parallel_loop3A_199 = arith.index_cast %parallel_loop3A_169 : i32 to index
        %parallel_loop3A_200 = arith.constant 96 : index
        %parallel_loop3A_201 = tpu.vector_load %arg9[%parallel_loop3A_199, %parallel_loop3A_200] {strides = array<i32>} : memref<128x128xf32, #tpu.memory_space<vmem>>, vector<16xf32>,
        %parallel_loop3A_202 = arith.mulf %parallel_loop3A_201, %parallel_loop3A_201 : vector<16xf32>
        %parallel_loop3A_203 = arith.addf %parallel_loop3A_198, %parallel_loop3A_202 : vector<16xf32>
        %parallel_loop3A_204 = arith.index_cast %parallel_loop3A_169 : i32 to index
        %parallel_loop3A_205 = arith.constant 112 : index
        %parallel_loop3A_206 = tpu.vector_load %arg9[%parallel_loop3A_204, %parallel_loop3A_205] {strides = array<i32>} : memref<128x128xf32, #tpu.memory_space<vmem>>, vector<16xf32>,
        %parallel_loop3A_207 = arith.mulf %parallel_loop3A_206, %parallel_loop3A_206 : vector<16xf32>
        %parallel_loop3A_208 = arith.addf %parallel_loop3A_203, %parallel_loop3A_207 : vector<16xf32>
        %parallel_loop3A_209 = arith.constant true
        %parallel_loop3A_210 = vector.broadcast %parallel_loop3A_209 : i1 to vector<16xi1>
        %parallel_loop3A_211 = tpu.scan <sum>, %parallel_loop3A_208 masked %parallel_loop3A_210 : vector<16xf32>, vector<16xi1> -> vector<16xf32>
        %parallel_loop3A_212 = vector.extract %parallel_loop3A_211[15] : f32 from vector<16xf32>
        %parallel_loop3A_213 = arith.constant 1.000000e-24 : f32
        %parallel_loop3A_214 = arith.maximumf %parallel_loop3A_212, %parallel_loop3A_213 : f32
        %parallel_loop3A_215 = vector.broadcast %parallel_loop3A_214 : f32 to vector<16xf32>
        %parallel_loop3A_216 = vector.bitcast %parallel_loop3A_215 : vector<16xf32> to vector<16xi32>
        %parallel_loop3A_217 = arith.constant 1 : i32
        %parallel_loop3A_218 = vector.broadcast %parallel_loop3A_217 : i32 to vector<16xi32>
        %parallel_loop3A_219 = arith.shrsi %parallel_loop3A_216, %parallel_loop3A_218 : vector<16xi32>
        %parallel_loop3A_220 = arith.constant 1597463007 : i32
        %parallel_loop3A_221 = vector.broadcast %parallel_loop3A_220 : i32 to vector<16xi32>
        %parallel_loop3A_222 = arith.subi %parallel_loop3A_221, %parallel_loop3A_219 : vector<16xi32>
        %parallel_loop3A_223 = vector.bitcast %parallel_loop3A_222 : vector<16xi32> to vector<16xf32>
        %parallel_loop3A_224 = arith.constant 5.000000e-01 : f32
        %parallel_loop3A_225 = vector.broadcast %parallel_loop3A_224 : f32 to vector<16xf32>
        %parallel_loop3A_226 = arith.mulf %parallel_loop3A_215, %parallel_loop3A_225 : vector<16xf32>
        %parallel_loop3A_227 = arith.mulf %parallel_loop3A_226, %parallel_loop3A_223 : vector<16xf32>
        %parallel_loop3A_228 = arith.mulf %parallel_loop3A_227, %parallel_loop3A_223 : vector<16xf32>
        %parallel_loop3A_229 = arith.constant 1.500000e+00 : f32
        %parallel_loop3A_230 = vector.broadcast %parallel_loop3A_229 : f32 to vector<16xf32>
        %parallel_loop3A_231 = arith.subf %parallel_loop3A_230, %parallel_loop3A_228 : vector<16xf32>
        %parallel_loop3A_232 = arith.mulf %parallel_loop3A_223, %parallel_loop3A_231 : vector<16xf32>
        %parallel_loop3A_233 = arith.mulf %parallel_loop3A_226, %parallel_loop3A_232 : vector<16xf32>
        %parallel_loop3A_234 = arith.mulf %parallel_loop3A_233, %parallel_loop3A_232 : vector<16xf32>
        %parallel_loop3A_235 = arith.constant 1.500000e+00 : f32
        %parallel_loop3A_236 = vector.broadcast %parallel_loop3A_235 : f32 to vector<16xf32>
        %parallel_loop3A_237 = arith.subf %parallel_loop3A_236, %parallel_loop3A_234 : vector<16xf32>
        %parallel_loop3A_238 = arith.mulf %parallel_loop3A_232, %parallel_loop3A_237 : vector<16xf32>
        %parallel_loop3A_239 = arith.mulf %parallel_loop3A_172, %parallel_loop3A_238 : vector<16xf32>
        %parallel_loop3A_240 = arith.index_cast %parallel_loop3A_169 : i32 to index
        %parallel_loop3A_241 = arith.constant 0 : index
        %parallel_loop3A_242 = tpu.vector_load %arg9[%parallel_loop3A_240, %parallel_loop3A_241] {strides = array<i32>} : memref<128x128xf32, #tpu.memory_space<vmem>>, vector<16xf32>,
        tpu.vector_store %arg9[%parallel_loop3A_240, %parallel_loop3A_241], %parallel_loop3A_239 {strides = array<i32>} : memref<128x128xf32, #tpu.memory_space<vmem>>, vector<16xf32>,
        %parallel_loop3A_243 = arith.mulf %parallel_loop3A_176, %parallel_loop3A_238 : vector<16xf32>
        %parallel_loop3A_244 = arith.index_cast %parallel_loop3A_169 : i32 to index
        %parallel_loop3A_245 = arith.constant 16 : index
        %parallel_loop3A_246 = tpu.vector_load %arg9[%parallel_loop3A_244, %parallel_loop3A_245] {strides = array<i32>} : memref<128x128xf32, #tpu.memory_space<vmem>>, vector<16xf32>,
        tpu.vector_store %arg9[%parallel_loop3A_244, %parallel_loop3A_245], %parallel_loop3A_243 {strides = array<i32>} : memref<128x128xf32, #tpu.memory_space<vmem>>, vector<16xf32>,
        %parallel_loop3A_247 = arith.mulf %parallel_loop3A_181, %parallel_loop3A_238 : vector<16xf32>
        %parallel_loop3A_248 = arith.index_cast %parallel_loop3A_169 : i32 to index
        %parallel_loop3A_249 = arith.constant 32 : index
        %parallel_loop3A_250 = tpu.vector_load %arg9[%parallel_loop3A_248, %parallel_loop3A_249] {strides = array<i32>} : memref<128x128xf32, #tpu.memory_space<vmem>>, vector<16xf32>,
        tpu.vector_store %arg9[%parallel_loop3A_248, %parallel_loop3A_249], %parallel_loop3A_247 {strides = array<i32>} : memref<128x128xf32, #tpu.memory_space<vmem>>, vector<16xf32>,
        %parallel_loop3A_251 = arith.mulf %parallel_loop3A_186, %parallel_loop3A_238 : vector<16xf32>
        %parallel_loop3A_252 = arith.index_cast %parallel_loop3A_169 : i32 to index
        %parallel_loop3A_253 = arith.constant 48 : index
        %parallel_loop3A_254 = tpu.vector_load %arg9[%parallel_loop3A_252, %parallel_loop3A_253] {strides = array<i32>} : memref<128x128xf32, #tpu.memory_space<vmem>>, vector<16xf32>,
        tpu.vector_store %arg9[%parallel_loop3A_252, %parallel_loop3A_253], %parallel_loop3A_251 {strides = array<i32>} : memref<128x128xf32, #tpu.memory_space<vmem>>, vector<16xf32>,
        %parallel_loop3A_255 = arith.mulf %parallel_loop3A_191, %parallel_loop3A_238 : vector<16xf32>
        %parallel_loop3A_256 = arith.index_cast %parallel_loop3A_169 : i32 to index
        %parallel_loop3A_257 = arith.constant 64 : index
        %parallel_loop3A_258 = tpu.vector_load %arg9[%parallel_loop3A_256, %parallel_loop3A_257] {strides = array<i32>} : memref<128x128xf32, #tpu.memory_space<vmem>>, vector<16xf32>,
        tpu.vector_store %arg9[%parallel_loop3A_256, %parallel_loop3A_257], %parallel_loop3A_255 {strides = array<i32>} : memref<128x128xf32, #tpu.memory_space<vmem>>, vector<16xf32>,
        %parallel_loop3A_259 = arith.mulf %parallel_loop3A_196, %parallel_loop3A_238 : vector<16xf32>
        %parallel_loop3A_260 = arith.index_cast %parallel_loop3A_169 : i32 to index
        %parallel_loop3A_261 = arith.constant 80 : index
        %parallel_loop3A_262 = tpu.vector_load %arg9[%parallel_loop3A_260, %parallel_loop3A_261] {strides = array<i32>} : memref<128x128xf32, #tpu.memory_space<vmem>>, vector<16xf32>,
        tpu.vector_store %arg9[%parallel_loop3A_260, %parallel_loop3A_261], %parallel_loop3A_259 {strides = array<i32>} : memref<128x128xf32, #tpu.memory_space<vmem>>, vector<16xf32>,
        %parallel_loop3A_263 = arith.mulf %parallel_loop3A_201, %parallel_loop3A_238 : vector<16xf32>
        %parallel_loop3A_264 = arith.index_cast %parallel_loop3A_169 : i32 to index
        %parallel_loop3A_265 = arith.constant 96 : index
        %parallel_loop3A_266 = tpu.vector_load %arg9[%parallel_loop3A_264, %parallel_loop3A_265] {strides = array<i32>} : memref<128x128xf32, #tpu.memory_space<vmem>>, vector<16xf32>,
        tpu.vector_store %arg9[%parallel_loop3A_264, %parallel_loop3A_265], %parallel_loop3A_263 {strides = array<i32>} : memref<128x128xf32, #tpu.memory_space<vmem>>, vector<16xf32>,
        %parallel_loop3A_267 = arith.mulf %parallel_loop3A_206, %parallel_loop3A_238 : vector<16xf32>
        %parallel_loop3A_268 = arith.index_cast %parallel_loop3A_169 : i32 to index
        %parallel_loop3A_269 = arith.constant 112 : index
        %parallel_loop3A_270 = tpu.vector_load %arg9[%parallel_loop3A_268, %parallel_loop3A_269] {strides = array<i32>} : memref<128x128xf32, #tpu.memory_space<vmem>>, vector<16xf32>,
        tpu.vector_store %arg9[%parallel_loop3A_268, %parallel_loop3A_269], %parallel_loop3A_267 {strides = array<i32>} : memref<128x128xf32, #tpu.memory_space<vmem>>, vector<16xf32>,
      } {sc.loop_unroll_factor = 2 : i64, sc.parallel_access}
      %mul3A_133 = arith.constant 128 : i32
      %mul3A_134 = arith.muli %add3A_114, %mul3A_133 : i32
      %add3A_135 = arith.addi %mul3A_2, %mul3A_134 : i32
      %dma_start3A_136 = arith.constant 0 : i32
      %dma_start3A_137 = tpu.memref_slice %arg4[%add3A_135, %dma_start3A_136] : memref<819200x128xf32, #tpu.memory_space<hbm>> -> memref<128x128xf32, #tpu.memory_space<hbm>>
      %dma_start3A_138 = arith.constant 0 : i32
      %dma_start3A_139 = tpu.memref_slice %arg4[%add3A_135, %dma_start3A_138] : memref<819200x128xf32, #tpu.memory_space<hbm>> -> memref<128x128xf32, #tpu.memory_space<hbm>>
      tpu.enqueue_dma source(%arg9 : memref<128x128xf32, #tpu.memory_space<vmem>>) target(%dma_start3A_139 : memref<128x128xf32, #tpu.memory_space<hbm>>) target_semaphore(%arg19 : memref<!tpu.dma_semaphore, #tpu.memory_space<semaphore_mem>>)
      %mul3A_140 = arith.constant 5 : i32
      %mul3A_141 = arith.muli %mul3A_140, %scan3A_28 : i32
      %add3A_142 = arith.constant 4 : i32
      %add3A_143 = arith.addi %mul3A_141, %add3A_142 : i32
      %ge3A_144 = arith.constant 3 : i32
      %ge3A_145 = arith.cmpi sge, %add3A_143, %ge3A_144 : i32
      %convert_element_type3A_146 = arith.extui %ge3A_145 : i1 to i32
      %cond3A_147 = arith.constant 0 : i32
      %cond3A_148 = arith.cmpi ne, %convert_element_type3A_146, %cond3A_147 : i32
      scf.if %cond3A_148 {
        %dma_wait3A_169 = arith.constant 0 : i32
        %dma_wait3A_170 = tpu.memref_slice %arg4[%mul3A_2, %dma_wait3A_169] : memref<819200x128xf32, #tpu.memory_space<hbm>> -> memref<128x128xf32, #tpu.memory_space<hbm>>
        %dma_wait3A_171 = arith.constant 0 : i32
        %dma_wait3A_172 = tpu.memref_slice %arg4[%mul3A_2, %dma_wait3A_171] : memref<819200x128xf32, #tpu.memory_space<hbm>> -> memref<128x128xf32, #tpu.memory_space<hbm>>
        tpu.wait_dma2 semaphore(%arg17 : memref<!tpu.dma_semaphore, #tpu.memory_space<semaphore_mem>>) src(%arg7 : memref<128x128xf32, #tpu.memory_space<vmem>>) dst(%dma_wait3A_172 : memref<128x128xf32, #tpu.memory_space<hbm>>)
      } else {
      }
      %lt3A_149 = arith.constant 198 : i32
      %lt3A_150 = arith.cmpi slt, %add3A_143, %lt3A_149 : i32
      %convert_element_type3A_151 = arith.extui %lt3A_150 : i1 to i32
      %cond3A_152 = arith.constant 0 : i32
      %cond3A_153 = arith.cmpi ne, %convert_element_type3A_151, %cond3A_152 : i32
      scf.if %cond3A_153 {
        %add3A_169 = arith.constant 2 : i32
        %add3A_170 = arith.addi %add3A_143, %add3A_169 : i32
        %mul3A_171 = arith.constant 128 : i32
        %mul3A_172 = arith.muli %add3A_170, %mul3A_171 : i32
        %dma_start3A_173 = tpu.memref_slice %arg5[%mul3A_172] : memref<25600xi32, #tpu.memory_space<vmem>> -> memref<128xi32, #tpu.memory_space<vmem>>
        %dma_start3A_174 = arith.constant 0 : i32
        %dma_start3A_175 = arith.constant 0 : i32
        %dma_start3A_176 = tpu.memref_slice %arg3[%dma_start3A_174, %dma_start3A_175] : memref<100000x128xf32, #tpu.memory_space<hbm>> -> memref<100000x128xf32, #tpu.memory_space<hbm>>
        tpu.enqueue_indirect_dma source(%dma_start3A_176 : memref<100000x128xf32, #tpu.memory_space<hbm>>) target(%arg7 : memref<128x128xf32, #tpu.memory_space<vmem>>) offsets(%dma_start3A_173 : memref<128xi32, #tpu.memory_space<vmem>>) semaphore(%arg12 : memref<!tpu.dma_semaphore, #tpu.memory_space<semaphore_mem>>)
      } else {
      }
      %dma_wait3A_154 = arith.constant 0 : i32
      %dma_wait3A_155 = tpu.memref_slice %arg5[%dma_wait3A_154] : memref<25600xi32, #tpu.memory_space<vmem>> -> memref<128xi32, #tpu.memory_space<vmem>>
      %dma_wait3A_156 = arith.constant 0 : i32
      %dma_wait3A_157 = arith.constant 0 : i32
      %dma_wait3A_158 = tpu.memref_slice %arg3[%dma_wait3A_156, %dma_wait3A_157] : memref<100000x128xf32, #tpu.memory_space<hbm>> -> memref<100000x128xf32, #tpu.memory_space<hbm>>
      tpu.wait_indirect_dma semaphore(%arg15 : memref<!tpu.dma_semaphore, #tpu.memory_space<semaphore_mem>>) src(%dma_wait3A_158 : memref<100000x128xf32, #tpu.memory_space<hbm>>) dst(%arg10 : memref<128x128xf32, #tpu.memory_space<vmem>>)
      %parallel_loop3A_159 = arith.constant 0 : i32
      %parallel_loop3A_160 = arith.constant 128 : i32
      %parallel_loop3A_161 = arith.constant 1 : i32
      scf.for %parallel_loop3A_169 = %parallel_loop3A_159 to %parallel_loop3A_160 step %parallel_loop3A_161  : i32 {
        %parallel_loop3A_170 = arith.index_cast %parallel_loop3A_169 : i32 to index
        %parallel_loop3A_171 = arith.constant 0 : index
        %parallel_loop3A_172 = tpu.vector_load %arg10[%parallel_loop3A_170, %parallel_loop3A_171] {strides = array<i32>} : memref<128x128xf32, #tpu.memory_space<vmem>>, vector<16xf32>,
        %parallel_loop3A_173 = arith.mulf %parallel_loop3A_172, %parallel_loop3A_172 : vector<16xf32>
        %parallel_loop3A_174 = arith.index_cast %parallel_loop3A_169 : i32 to index
        %parallel_loop3A_175 = arith.constant 16 : index
        %parallel_loop3A_176 = tpu.vector_load %arg10[%parallel_loop3A_174, %parallel_loop3A_175] {strides = array<i32>} : memref<128x128xf32, #tpu.memory_space<vmem>>, vector<16xf32>,
        %parallel_loop3A_177 = arith.mulf %parallel_loop3A_176, %parallel_loop3A_176 : vector<16xf32>
        %parallel_loop3A_178 = arith.addf %parallel_loop3A_173, %parallel_loop3A_177 : vector<16xf32>
        %parallel_loop3A_179 = arith.index_cast %parallel_loop3A_169 : i32 to index
        %parallel_loop3A_180 = arith.constant 32 : index
        %parallel_loop3A_181 = tpu.vector_load %arg10[%parallel_loop3A_179, %parallel_loop3A_180] {strides = array<i32>} : memref<128x128xf32, #tpu.memory_space<vmem>>, vector<16xf32>,
        %parallel_loop3A_182 = arith.mulf %parallel_loop3A_181, %parallel_loop3A_181 : vector<16xf32>
        %parallel_loop3A_183 = arith.addf %parallel_loop3A_178, %parallel_loop3A_182 : vector<16xf32>
        %parallel_loop3A_184 = arith.index_cast %parallel_loop3A_169 : i32 to index
        %parallel_loop3A_185 = arith.constant 48 : index
        %parallel_loop3A_186 = tpu.vector_load %arg10[%parallel_loop3A_184, %parallel_loop3A_185] {strides = array<i32>} : memref<128x128xf32, #tpu.memory_space<vmem>>, vector<16xf32>,
        %parallel_loop3A_187 = arith.mulf %parallel_loop3A_186, %parallel_loop3A_186 : vector<16xf32>
        %parallel_loop3A_188 = arith.addf %parallel_loop3A_183, %parallel_loop3A_187 : vector<16xf32>
        %parallel_loop3A_189 = arith.index_cast %parallel_loop3A_169 : i32 to index
        %parallel_loop3A_190 = arith.constant 64 : index
        %parallel_loop3A_191 = tpu.vector_load %arg10[%parallel_loop3A_189, %parallel_loop3A_190] {strides = array<i32>} : memref<128x128xf32, #tpu.memory_space<vmem>>, vector<16xf32>,
        %parallel_loop3A_192 = arith.mulf %parallel_loop3A_191, %parallel_loop3A_191 : vector<16xf32>
        %parallel_loop3A_193 = arith.addf %parallel_loop3A_188, %parallel_loop3A_192 : vector<16xf32>
        %parallel_loop3A_194 = arith.index_cast %parallel_loop3A_169 : i32 to index
        %parallel_loop3A_195 = arith.constant 80 : index
        %parallel_loop3A_196 = tpu.vector_load %arg10[%parallel_loop3A_194, %parallel_loop3A_195] {strides = array<i32>} : memref<128x128xf32, #tpu.memory_space<vmem>>, vector<16xf32>,
        %parallel_loop3A_197 = arith.mulf %parallel_loop3A_196, %parallel_loop3A_196 : vector<16xf32>
        %parallel_loop3A_198 = arith.addf %parallel_loop3A_193, %parallel_loop3A_197 : vector<16xf32>
        %parallel_loop3A_199 = arith.index_cast %parallel_loop3A_169 : i32 to index
        %parallel_loop3A_200 = arith.constant 96 : index
        %parallel_loop3A_201 = tpu.vector_load %arg10[%parallel_loop3A_199, %parallel_loop3A_200] {strides = array<i32>} : memref<128x128xf32, #tpu.memory_space<vmem>>, vector<16xf32>,
        %parallel_loop3A_202 = arith.mulf %parallel_loop3A_201, %parallel_loop3A_201 : vector<16xf32>
        %parallel_loop3A_203 = arith.addf %parallel_loop3A_198, %parallel_loop3A_202 : vector<16xf32>
        %parallel_loop3A_204 = arith.index_cast %parallel_loop3A_169 : i32 to index
        %parallel_loop3A_205 = arith.constant 112 : index
        %parallel_loop3A_206 = tpu.vector_load %arg10[%parallel_loop3A_204, %parallel_loop3A_205] {strides = array<i32>} : memref<128x128xf32, #tpu.memory_space<vmem>>, vector<16xf32>,
        %parallel_loop3A_207 = arith.mulf %parallel_loop3A_206, %parallel_loop3A_206 : vector<16xf32>
        %parallel_loop3A_208 = arith.addf %parallel_loop3A_203, %parallel_loop3A_207 : vector<16xf32>
        %parallel_loop3A_209 = arith.constant true
        %parallel_loop3A_210 = vector.broadcast %parallel_loop3A_209 : i1 to vector<16xi1>
        %parallel_loop3A_211 = tpu.scan <sum>, %parallel_loop3A_208 masked %parallel_loop3A_210 : vector<16xf32>, vector<16xi1> -> vector<16xf32>
        %parallel_loop3A_212 = vector.extract %parallel_loop3A_211[15] : f32 from vector<16xf32>
        %parallel_loop3A_213 = arith.constant 1.000000e-24 : f32
        %parallel_loop3A_214 = arith.maximumf %parallel_loop3A_212, %parallel_loop3A_213 : f32
        %parallel_loop3A_215 = vector.broadcast %parallel_loop3A_214 : f32 to vector<16xf32>
        %parallel_loop3A_216 = vector.bitcast %parallel_loop3A_215 : vector<16xf32> to vector<16xi32>
        %parallel_loop3A_217 = arith.constant 1 : i32
        %parallel_loop3A_218 = vector.broadcast %parallel_loop3A_217 : i32 to vector<16xi32>
        %parallel_loop3A_219 = arith.shrsi %parallel_loop3A_216, %parallel_loop3A_218 : vector<16xi32>
        %parallel_loop3A_220 = arith.constant 1597463007 : i32
        %parallel_loop3A_221 = vector.broadcast %parallel_loop3A_220 : i32 to vector<16xi32>
        %parallel_loop3A_222 = arith.subi %parallel_loop3A_221, %parallel_loop3A_219 : vector<16xi32>
        %parallel_loop3A_223 = vector.bitcast %parallel_loop3A_222 : vector<16xi32> to vector<16xf32>
        %parallel_loop3A_224 = arith.constant 5.000000e-01 : f32
        %parallel_loop3A_225 = vector.broadcast %parallel_loop3A_224 : f32 to vector<16xf32>
        %parallel_loop3A_226 = arith.mulf %parallel_loop3A_215, %parallel_loop3A_225 : vector<16xf32>
        %parallel_loop3A_227 = arith.mulf %parallel_loop3A_226, %parallel_loop3A_223 : vector<16xf32>
        %parallel_loop3A_228 = arith.mulf %parallel_loop3A_227, %parallel_loop3A_223 : vector<16xf32>
        %parallel_loop3A_229 = arith.constant 1.500000e+00 : f32
        %parallel_loop3A_230 = vector.broadcast %parallel_loop3A_229 : f32 to vector<16xf32>
        %parallel_loop3A_231 = arith.subf %parallel_loop3A_230, %parallel_loop3A_228 : vector<16xf32>
        %parallel_loop3A_232 = arith.mulf %parallel_loop3A_223, %parallel_loop3A_231 : vector<16xf32>
        %parallel_loop3A_233 = arith.mulf %parallel_loop3A_226, %parallel_loop3A_232 : vector<16xf32>
        %parallel_loop3A_234 = arith.mulf %parallel_loop3A_233, %parallel_loop3A_232 : vector<16xf32>
        %parallel_loop3A_235 = arith.constant 1.500000e+00 : f32
        %parallel_loop3A_236 = vector.broadcast %parallel_loop3A_235 : f32 to vector<16xf32>
        %parallel_loop3A_237 = arith.subf %parallel_loop3A_236, %parallel_loop3A_234 : vector<16xf32>
        %parallel_loop3A_238 = arith.mulf %parallel_loop3A_232, %parallel_loop3A_237 : vector<16xf32>
        %parallel_loop3A_239 = arith.mulf %parallel_loop3A_172, %parallel_loop3A_238 : vector<16xf32>
        %parallel_loop3A_240 = arith.index_cast %parallel_loop3A_169 : i32 to index
        %parallel_loop3A_241 = arith.constant 0 : index
        %parallel_loop3A_242 = tpu.vector_load %arg10[%parallel_loop3A_240, %parallel_loop3A_241] {strides = array<i32>} : memref<128x128xf32, #tpu.memory_space<vmem>>, vector<16xf32>,
        tpu.vector_store %arg10[%parallel_loop3A_240, %parallel_loop3A_241], %parallel_loop3A_239 {strides = array<i32>} : memref<128x128xf32, #tpu.memory_space<vmem>>, vector<16xf32>,
        %parallel_loop3A_243 = arith.mulf %parallel_loop3A_176, %parallel_loop3A_238 : vector<16xf32>
        %parallel_loop3A_244 = arith.index_cast %parallel_loop3A_169 : i32 to index
        %parallel_loop3A_245 = arith.constant 16 : index
        %parallel_loop3A_246 = tpu.vector_load %arg10[%parallel_loop3A_244, %parallel_loop3A_245] {strides = array<i32>} : memref<128x128xf32, #tpu.memory_space<vmem>>, vector<16xf32>,
        tpu.vector_store %arg10[%parallel_loop3A_244, %parallel_loop3A_245], %parallel_loop3A_243 {strides = array<i32>} : memref<128x128xf32, #tpu.memory_space<vmem>>, vector<16xf32>,
        %parallel_loop3A_247 = arith.mulf %parallel_loop3A_181, %parallel_loop3A_238 : vector<16xf32>
        %parallel_loop3A_248 = arith.index_cast %parallel_loop3A_169 : i32 to index
        %parallel_loop3A_249 = arith.constant 32 : index
        %parallel_loop3A_250 = tpu.vector_load %arg10[%parallel_loop3A_248, %parallel_loop3A_249] {strides = array<i32>} : memref<128x128xf32, #tpu.memory_space<vmem>>, vector<16xf32>,
        tpu.vector_store %arg10[%parallel_loop3A_248, %parallel_loop3A_249], %parallel_loop3A_247 {strides = array<i32>} : memref<128x128xf32, #tpu.memory_space<vmem>>, vector<16xf32>,
        %parallel_loop3A_251 = arith.mulf %parallel_loop3A_186, %parallel_loop3A_238 : vector<16xf32>
        %parallel_loop3A_252 = arith.index_cast %parallel_loop3A_169 : i32 to index
        %parallel_loop3A_253 = arith.constant 48 : index
        %parallel_loop3A_254 = tpu.vector_load %arg10[%parallel_loop3A_252, %parallel_loop3A_253] {strides = array<i32>} : memref<128x128xf32, #tpu.memory_space<vmem>>, vector<16xf32>,
        tpu.vector_store %arg10[%parallel_loop3A_252, %parallel_loop3A_253], %parallel_loop3A_251 {strides = array<i32>} : memref<128x128xf32, #tpu.memory_space<vmem>>, vector<16xf32>,
        %parallel_loop3A_255 = arith.mulf %parallel_loop3A_191, %parallel_loop3A_238 : vector<16xf32>
        %parallel_loop3A_256 = arith.index_cast %parallel_loop3A_169 : i32 to index
        %parallel_loop3A_257 = arith.constant 64 : index
        %parallel_loop3A_258 = tpu.vector_load %arg10[%parallel_loop3A_256, %parallel_loop3A_257] {strides = array<i32>} : memref<128x128xf32, #tpu.memory_space<vmem>>, vector<16xf32>,
        tpu.vector_store %arg10[%parallel_loop3A_256, %parallel_loop3A_257], %parallel_loop3A_255 {strides = array<i32>} : memref<128x128xf32, #tpu.memory_space<vmem>>, vector<16xf32>,
        %parallel_loop3A_259 = arith.mulf %parallel_loop3A_196, %parallel_loop3A_238 : vector<16xf32>
        %parallel_loop3A_260 = arith.index_cast %parallel_loop3A_169 : i32 to index
        %parallel_loop3A_261 = arith.constant 80 : index
        %parallel_loop3A_262 = tpu.vector_load %arg10[%parallel_loop3A_260, %parallel_loop3A_261] {strides = array<i32>} : memref<128x128xf32, #tpu.memory_space<vmem>>, vector<16xf32>,
        tpu.vector_store %arg10[%parallel_loop3A_260, %parallel_loop3A_261], %parallel_loop3A_259 {strides = array<i32>} : memref<128x128xf32, #tpu.memory_space<vmem>>, vector<16xf32>,
        %parallel_loop3A_263 = arith.mulf %parallel_loop3A_201, %parallel_loop3A_238 : vector<16xf32>
        %parallel_loop3A_264 = arith.index_cast %parallel_loop3A_169 : i32 to index
        %parallel_loop3A_265 = arith.constant 96 : index
        %parallel_loop3A_266 = tpu.vector_load %arg10[%parallel_loop3A_264, %parallel_loop3A_265] {strides = array<i32>} : memref<128x128xf32, #tpu.memory_space<vmem>>, vector<16xf32>,
        tpu.vector_store %arg10[%parallel_loop3A_264, %parallel_loop3A_265], %parallel_loop3A_263 {strides = array<i32>} : memref<128x128xf32, #tpu.memory_space<vmem>>, vector<16xf32>,
        %parallel_loop3A_267 = arith.mulf %parallel_loop3A_206, %parallel_loop3A_238 : vector<16xf32>
        %parallel_loop3A_268 = arith.index_cast %parallel_loop3A_169 : i32 to index
        %parallel_loop3A_269 = arith.constant 112 : index
        %parallel_loop3A_270 = tpu.vector_load %arg10[%parallel_loop3A_268, %parallel_loop3A_269] {strides = array<i32>} : memref<128x128xf32, #tpu.memory_space<vmem>>, vector<16xf32>,
        tpu.vector_store %arg10[%parallel_loop3A_268, %parallel_loop3A_269], %parallel_loop3A_267 {strides = array<i32>} : memref<128x128xf32, #tpu.memory_space<vmem>>, vector<16xf32>,
      } {sc.loop_unroll_factor = 2 : i64, sc.parallel_access}
      %mul3A_162 = arith.constant 128 : i32
      %mul3A_163 = arith.muli %add3A_143, %mul3A_162 : i32
      %add3A_164 = arith.addi %mul3A_2, %mul3A_163 : i32
      %dma_start3A_165 = arith.constant 0 : i32
      %dma_start3A_166 = tpu.memref_slice %arg4[%add3A_164, %dma_start3A_165] : memref<819200x128xf32, #tpu.memory_space<hbm>> -> memref<128x128xf32, #tpu.memory_space<hbm>>
      %dma_start3A_167 = arith.constant 0 : i32
      %dma_start3A_168 = tpu.memref_slice %arg4[%add3A_164, %dma_start3A_167] : memref<819200x128xf32, #tpu.memory_space<hbm>> -> memref<128x128xf32, #tpu.memory_space<hbm>>
      tpu.enqueue_dma source(%arg10 : memref<128x128xf32, #tpu.memory_space<vmem>>) target(%dma_start3A_168 : memref<128x128xf32, #tpu.memory_space<hbm>>) target_semaphore(%arg20 : memref<!tpu.dma_semaphore, #tpu.memory_space<semaphore_mem>>)
    }
    %scan3A_16 = arith.constant 40 : i32
    %dma_wait3A = arith.constant 0 : i32
    %dma_wait3A_17 = tpu.memref_slice %arg4[%mul3A_2, %dma_wait3A] : memref<819200x128xf32, #tpu.memory_space<hbm>> -> memref<128x128xf32, #tpu.memory_space<hbm>>
    %dma_wait3A_18 = arith.constant 0 : i32
    %dma_wait3A_19 = tpu.memref_slice %arg4[%mul3A_2, %dma_wait3A_18] : memref<819200x128xf32, #tpu.memory_space<hbm>> -> memref<128x128xf32, #tpu.memory_space<hbm>>
    tpu.wait_dma2 semaphore(%arg18 : memref<!tpu.dma_semaphore, #tpu.memory_space<semaphore_mem>>) src(%arg8 : memref<128x128xf32, #tpu.memory_space<vmem>>) dst(%dma_wait3A_19 : memref<128x128xf32, #tpu.memory_space<hbm>>)
    %dma_wait3A_20 = arith.constant 0 : i32
    %dma_wait3A_21 = tpu.memref_slice %arg4[%mul3A_2, %dma_wait3A_20] : memref<819200x128xf32, #tpu.memory_space<hbm>> -> memref<128x128xf32, #tpu.memory_space<hbm>>
    %dma_wait3A_22 = arith.constant 0 : i32
    %dma_wait3A_23 = tpu.memref_slice %arg4[%mul3A_2, %dma_wait3A_22] : memref<819200x128xf32, #tpu.memory_space<hbm>> -> memref<128x128xf32, #tpu.memory_space<hbm>>
    tpu.wait_dma2 semaphore(%arg19 : memref<!tpu.dma_semaphore, #tpu.memory_space<semaphore_mem>>) src(%arg9 : memref<128x128xf32, #tpu.memory_space<vmem>>) dst(%dma_wait3A_23 : memref<128x128xf32, #tpu.memory_space<hbm>>)
    %dma_wait3A_24 = arith.constant 0 : i32
    %dma_wait3A_25 = tpu.memref_slice %arg4[%mul3A_2, %dma_wait3A_24] : memref<819200x128xf32, #tpu.memory_space<hbm>> -> memref<128x128xf32, #tpu.memory_space<hbm>>
    %dma_wait3A_26 = arith.constant 0 : i32
    %dma_wait3A_27 = tpu.memref_slice %arg4[%mul3A_2, %dma_wait3A_26] : memref<819200x128xf32, #tpu.memory_space<hbm>> -> memref<128x128xf32, #tpu.memory_space<hbm>>
    tpu.wait_dma2 semaphore(%arg20 : memref<!tpu.dma_semaphore, #tpu.memory_space<semaphore_mem>>) src(%arg10 : memref<128x128xf32, #tpu.memory_space<vmem>>) dst(%dma_wait3A_27 : memref<128x128xf32, #tpu.memory_space<hbm>>)
    return
  }
}

</mosaic_0001>

<sc_bundles>
// kernel: kernel.3.cloned.1.call-start
scs
__scs_entry_jumppad:
0x0: {  	(pc) =	sbr.rel $0x88, $3  }
0x1: {  	(tag) =	ssettag $0x0;
	lr =	simm.s32 $0x1  }
0x2: {  	[smem:$0x3F9F] =	sst lr;
	_ =	strace $0xD0000000  }
0x3: {  	_ = 	snop  }
0x4: {  	_ = 	snop  }
0x5: {  	_ = 	snop  }
0x6: {  	_ = 	snop  }
0x7: {  	_ = 	snop  }
__scs_overlays_trampoline_lowered:
0x8: {  	[smem:$0x3FAE] =	sst s0  }
0x9: {  	[smem:$0x3FAF] =	sst s1  }
0xa: {  	[smem:$0x3FB0] =	sst s2  }
0xb: {  	[smem:$0x3FB1] =	sst s3  }
0xc: {  	[smem:$0x3FB2] =	sst s4  }
0xd: {  	[smem:$0x3FB3] =	sst s5  }
0xe: {  	[smem:$0x3FB4] =	sst s6  }
0xf: {  	[smem:$0x3FB5] =	sst s7  }
0x10: {  	[smem:$0x3FB6] =	sst s8  }
0x11: {  	[smem:$0x3FB7] =	sst s9;
	s0 =	simm.s32 @!p0 $0x0  }
0x12: {  	s1 =	sld [smem:$0x3F9D];
	s0 =	simm.s32 @p0 $0x1  }
0x13: {  	[smem:$0x3FB8] =	sst s0;
	s0 =	simm.s32 @!p1 $0x0  }
0x14: {  	s2 =	sld [smem:$0x3F9C];
	s0 =	simm.s32 @p1 $0x1  }
0x15: {  	[smem:$0x3FB9] =	sst s0;
	s0 =	simm.s32 @!p2 $0x0  }
0x16: {  	s3 =	sld [smem:$0x3FDB];
	s0 =	simm.s32 @p2 $0x1  }
0x17: {  	s4 =	simm.s32 $0x1BF5;
	[smem:$0x3FBB] =	sst s0  }
0x18: {  	s0 =	sld [smem:$0x3F9E];
	_ =	swait.ge [sflag:s4], $0x0  }
0x19: {  	s7 =	sld [smem:$0x3F9F]  }
0x1a: {  	s8 =	sadd.s32 $0xFFFFE003, lr  }
0x1b: {  	s9 =	sadd.s32 $0xFFFFFEF7, lr;
	s5 =	simm.s32 $0xFFFFFFFF;
	p2 =	slt.u32 s8, $0xFFFFF086  }
0x1c: {  	p1 =	slt.u32 s9, $0xF7A;
	s5 =	simm.s32 @!p2 $0x0  }
0x1d: {  	s5 =	simm.s32 @p1 $0x1;
	p0 =	seq.s32 s7, s2  }
0x1e: {  	s7 =	smul.u32 @!p0 $0xF7A, s2;
	p2 =	seq.s32 @!p0 s5, $0x0  }
0x1f: {  	s9 =	smul.u32 $0xF7A, s1;
	s8 =	simm.s32 @!p0 $0x1BF5;
	p2 =	por !p2, p0  }
0x20: {  	[sflag:s8] =	ssyncset.s32 @!p0 $0xFFFFF086;
	s6 =	sadd.s32 @!p0 s3, s7;
	s7 =	simm.s32 @!p0 $0x108  }
0x21: {  	s3 =	sadd.s32 s3, s9;
	s6 =	sadd.s32 @!p0 $0x88, s6;
	s7 =	simm.s32 @p2 $0x1082  }
0x22: {  	[simem:s7], [sflag:s8] =	dma.local @!p0 [hbm:s6], $0xF7A  }
0x23: {  	s9 =	sor.u32 $0xD0000000, s2;
	s6 =	simm.s32 $0x108;
	_ =	swait.ge @!p0 [sflag:s8], $0x0  }
0x24: {  	s3 =	sadd.s32 $0x88, s3;
	s6 =	simm.s32 @!p1 $0x1082;
	[sflag:s4] =	ssyncset.s32 $0xFFFFF086  }
0x25: {  	[simem:s6], [sflag:s4] =	dma.local [hbm:s3], $0xF7A  }
0x26: {  	[smem:$0x3F9F] =	sst s1;
	(tag) =	ssettag s2;
	_ =	strace s9  }
0x27: {  	s1 =	sld [smem:$0x3FAF]  }
0x28: {  	s2 =	sld [smem:$0x3FB0]  }
0x29: {  	s4 =	sld [smem:$0x3FB2]  }
0x2a: {  	p0 =	seq.s32 s5, $0x0;
	s5 =	sld [smem:$0x3FB3]  }
0x2b: {  	s6 =	sld [smem:$0x3FB4]  }
0x2c: {  	s7 =	sld [smem:$0x3FB5]  }
0x2d: {  	s3 =	simm.s32 $0x108;
	s8 =	sld [smem:$0x3FB6]  }
0x2e: {  	s3 =	simm.s32 @!p0 $0x1082;
	s9 =	sld [smem:$0x3FB7]  }
0x2f: {  	lr =	sadd.s32 s0, s3;
	s0 =	sld [smem:$0x3FAE]  }
0x30: {  	s3 =	sld [smem:$0x3FB1]  }
0x31: {  	[smem:$0x3FBA] =	sst s10  }
0x32: {  	s10 =	sld [smem:$0x3FB8];
	_ =	sdelay $0x3  }
0x33: {  	p0 =	seq.s32 s10, $0x1;
	s10 =	sld [smem:$0x3FBA];
	_ =	sdelay $0x3  }
0x34: {  	[smem:$0x3FBA] =	sst s10  }
0x35: {  	s10 =	sld [smem:$0x3FB9];
	_ =	sdelay $0x3  }
0x36: {  	p1 =	seq.s32 s10, $0x1;
	s10 =	sld [smem:$0x3FBA];
	_ =	sdelay $0x3  }
0x37: {  	[smem:$0x3FBA] =	sst s10  }
0x38: {  	s10 =	sld [smem:$0x3FBB]  }
0x39: {  	_ = 	snop;
	(pc) =	sbr.ind lr, $3  }
0x3a: {  	_ = 	snop  }
0x3b: {  	_ = 	snop  }
0x3c: {  	p2 =	seq.s32 s10, $0x1;
	s10 =	sld [smem:$0x3FBA]  }
0x3d: {  	_ =	shalt  }
0x3e: {  	_ =	shalt  }
0x3f: {  	_ =	shalt  }
0x40: {  	_ =	shalt  }
0x41: {  	_ =	shalt  }
0x42: {  	_ =	shalt  }
0x43: {  	_ =	shalt  }
0x44: {  	_ =	shalt  }
0x45: {  	_ =	shalt  }
0x46: {  	_ =	shalt  }
0x47: {  	_ =	shalt  }
0x48: {  	_ =	shalt  }
0x49: {  	_ =	shalt  }
0x4a: {  	_ =	shalt  }
0x4b: {  	_ =	shalt  }
0x4c: {  	_ =	shalt  }
0x4d: {  	_ =	shalt  }
0x4e: {  	_ =	shalt  }
0x4f: {  	_ =	shalt  }
0x50: {  	_ =	shalt  }
0x51: {  	_ =	shalt  }
0x52: {  	_ =	shalt  }
0x53: {  	_ =	shalt  }
0x54: {  	_ =	shalt  }
0x55: {  	_ =	shalt  }
0x56: {  	_ =	shalt  }
0x57: {  	_ =	shalt  }
0x58: {  	_ =	shalt  }
0x59: {  	_ =	shalt  }
0x5a: {  	_ =	shalt  }
0x5b: {  	_ =	shalt  }
0x5c: {  	_ =	shalt  }
0x5d: {  	_ =	shalt  }
0x5e: {  	_ =	shalt  }
0x5f: {  	_ =	shalt  }
0x60: {  	_ =	shalt  }
0x61: {  	_ =	shalt  }
0x62: {  	_ =	shalt  }
0x63: {  	_ =	shalt  }
0x64: {  	_ =	shalt  }
0x65: {  	_ =	shalt  }
0x66: {  	_ =	shalt  }
0x67: {  	_ =	shalt  }
0x68: {  	_ =	shalt  }
0x69: {  	_ =	shalt  }
0x6a: {  	_ =	shalt  }
0x6b: {  	_ =	shalt  }
0x6c: {  	_ =	shalt  }
0x6d: {  	_ =	shalt  }
0x6e: {  	_ =	shalt  }
0x6f: {  	_ =	shalt  }
0x70: {  	_ =	shalt  }
0x71: {  	_ =	shalt  }
0x72: {  	_ =	shalt  }
0x73: {  	_ =	shalt  }
0x74: {  	_ =	shalt  }
0x75: {  	_ =	shalt  }
0x76: {  	_ =	shalt  }
0x77: {  	_ =	shalt  }
0x78: {  	_ =	shalt  }
0x79: {  	_ =	shalt  }
0x7a: {  	_ =	shalt  }
0x7b: {  	_ =	shalt  }
0x7c: {  	_ =	shalt  }
0x7d: {  	_ =	shalt  }
0x7e: {  	_ =	shalt  }
0x7f: {  	_ =	shalt  }
0x80: {  	_ =	shalt  }
0x81: {  	_ =	shalt  }
0x82: {  	_ =	shalt  }
0x83: {  	_ =	shalt  }
0x84: {  	_ =	shalt  }
0x85: {  	_ =	shalt  }
0x86: {  	_ =	shalt  }
0x87: {  	_ =	shalt  }
.Lfunc_end0:
.L_simem_size_0:
called_computation_lowered:
.L_overlay_start_0:
0x88: {  	s2 =	sld [smem:$0x3FD9]  }
0x89: {  	s3 =	sld [smem:$0x3FFE];
	_ =	sdelay $0x1  }
0x8a: {  	s1 =	srdreg.scid  }
0x8b: {  	s0 =	sand.u32 $0x1, s1  }
0x8c: {  	s17 =	sshll.u32 s0, $0xA;
	s2 =	sadd.s32 s3, s2  }
0x8d: {  	s2 =	sadd.s32 s2, s17  }
0x8e: {  	[smem:$0x3FC6] =	sst s2  }
0x8f: {  	_ = 	snop  }
0x90: {  	s2 =	sld [smem:$0x3FC8]  }
0x91: {  	s18 =	sld [smem:$0x3FD0];
	(tm) =	ssettm $0x1  }
0x92: {  	s4 =	sld [smem:$0x3FFB];
	_ =	sdelay $0x3  }
0x93: {  	_ =	strace s4  }
0x94: {  	s4 =	sld [smem:$0x3FFC];
	_ =	sdelay $0x3  }
0x95: {  	_ =	strace s4  }
0x96: {  	s4 =	sld [smem:$0x3FFD];
	_ =	sdelay $0x3  }
0x97: {  	_ =	strace s4  }
0x98: {  	_ =	strace $0x8FFFFFFF  }
0x99: {  	s19 =	sld [smem:$0x3FDB];
	_ =	sdelay $0x1  }
0x9a: {  	s5 =	simm.s32 $_scs_section_size  }
0x9b: {  	s6 =	simm.s32 $_size__tile_overlayer_lowered;
	s7 =	simm.s32 $_tile_overlayer_lowered  }
0x9c: {  	s22 =	simm.s32 $0x1BFF;
	s21 =	sshll.u32 s7, $0x1;
	s4 =	sadd.s32 s5, s19  }
0x9d: {  	s8 =	simm.s32 $0x0;
	s20 =	sshll.u32 s6, $0x1;
	s6 =	sadd.s32 s21, s4  }
0x9e: {  	[timem:s8], [sflag:s22] =	dma.local [hbm:s6], s20  }
0x9f: {  	_ =	swait.ge [sflag:s22], s20  }
0xa0: {  	s5 =	ssub.s32 $0x0, s20;
	[sflag:s22] =	ssyncset.done $0x0  }
0xa1: {  	[sflag:s22] =	ssyncadd.s32 s5;
	_ =	sdelay $0x1  }
0xa2: {  	s23 =	simm.s32 $0x1B8B  }
0xa3: {  	_ =	swait.ge [sflag:s23], $0x1  }
0xa4: {  	[sflag:s23] =	ssyncset.done $0x0  }
0xa5: {  	s25 =	simm.s32 $0x1B8E;
	s24 =	sld [smem:$0x3FFE];
	[sflag:s23] =	ssyncadd.s32 $0xFFFFFFFF  }
0xa6: {  	s26 =	simm.s32 $execute0_lowered;
	[smem:$0x3FD2] =	sst s25  }
0xa7: {  	s6 =	sshll.u32 s26, $0x1;
	_ =	strace $0x80000046;
	[dreg:$0x1] =	wrdreg $0xFFFFFFFF  }
0xa8: {  	s28 =	simm.s32 $_size_execute0_lowered;
	s4 =	sadd.s32 s4, s6;
	[dreg:$0x0] =	wrdreg $0x0  }
0xa9: {  	s6 =	sshll.u32 s28, $0x1;
	[dreg:$0x2] =	wrdreg s4  }
0xaa: {  	[dreg:$0x3] =	wrdreg s6  }
0xab: {  	[dreg:$0x4] =	wrdreg $0xC0  }
0xac: {  	_ =	task [dreg:s8], $0x5FFFF  }
0xad: {  	[dreg:$0x1] =	wrdreg $0xFFFFFFFF  }
0xae: {  	[dreg:$0x0] =	wrdreg $0x60  }
0xaf: {  	[dreg:$0x2] =	wrdreg s24  }
0xb0: {  	[dreg:$0x3] =	wrdreg s2  }
0xb1: {  	[dreg:$0x4] =	wrdreg s18  }
0xb2: {  	[dreg:$0x5] =	wrdreg $0x9  }
0xb3: {  	_ =	task.clear_ibuf [dreg:s8], $0x6FFFF;
	_ =	strace $0x90000046  }
0xb4: {  	s29 =	simm.s32 $0x9;
	_ =	strace $0x80000048  }
0xb5: {  	_ =	swait.ge [sflag:s29], $0x1  }
0xb6: {  	[sflag:s29] =	ssyncadd.s32 $0xFFFFFFFF  }
0xb7: {  	_ =	strace $0x90000048  }
0xb8: {  	_ =	sfence  }
0xb9: {  	s30 =	sld [smem:$0x0];
	_ =	sdelay $0x2  }
0xba: {  	s31 =	sshll.u32 s1, $0xD;
	s1 =	sshrl.u32 s1, $0x2  }
0xbb: {  	s3 =	sand.u32 $0x4000, s31;
	s1 =	sadd.s32 s1, s30  }
0xbc: {  	s0 =	sor.u32 s3, s0;
	s1 =	sshll.u32 s1, $0x11  }
0xbd: {  	s0 =	sor.u32 s1, s0  }
0xbe: {  	s0 =	sadd.s32 $0x8F2B, s0  }
0xbf: {  	[sflag:s0] =	ssyncadd.remote.s32 $0x1  }
0xc0: {  	_ =	sfence.sel $0xFFFF  }
0xc1: {  	[dreg:$0x0] =	wrdreg $0xFFFFFFFF;
	(pc) =	sbr.abs _section_cstart, $3  }
0xc2: {  	[dreg:$0x1] =	wrdreg $0xFFFFFFFF  }
0xc3: {  	_ =	task.clear_ibuf [dreg:s8], $0x2FFFF;
	_ =	strace $0x9FFFFFFF  }
0xc4: {  	(tm) =	ssettm $0x7FFFFFFF  }
0xc5: {  	_ =	shalt  }
tec
execute0_lowered:
.L_overlay_start_1:
0x0: {  	(tag) =	ssettag $0x1  }
0x1: {  	s0 =	rddreg [dreg:$0x0];
	s1 =	srdreg.scid  }
0x2: {  	s3 =	stileid.u32;
	s2 =	rddreg [dreg:$0x1]  }
0x3: {  	s13 =	simm.s32 $0x80;
	s14 =	simm.s32 $0x6400;
	s15 =	simm.s32 $0xA400  }
0x4: {  	s16 =	simm.s32 $0xE400;
	s17 =	simm.s32 $0x1;
	s18 =	simm.s32 $0x12400  }
0x5: {  	s19 =	simm.s32 $0x2;
	s20 =	simm.s32 $0x16400;
	s21 =	simm.s32 $0x3  }
0x6: {  	s22 =	simm.s32 $0x6;
	s23 =	simm.s32 $0x4;
	s24 =	simm.s32 $0x7  }
0x7: {  	s25 =	simm.s32 $0x5;
	s1 =	sand.u32 $0x1, s1;
	s4 =	sshll.u32 s3, $0x1  }
0x8: {  	s30 =	simm.s32 $0x0;
	s3 =	rddreg [dreg:$0x2];
	s6 =	sor.u32 s1, s4  }
0x9: {  	s4 =	simm.s32 $0x0;
	s1 =	ssub.s32 $0x2, s1;
	s5 =	smul.u32 $0x6400, s6  }
0xa: {  	[smem:$0x7FF] =	sst s4;
	s8 =	sshrl.u32 s1, $0x1;
	s6 =	smul.u32 $0x320000, s6  }
0xb: {  	_ =	strace $0x80000047;
	s1 =	ssub.s32 s1, s8;
	s7 =	sshrl.u32 s5, $0x3  }
0xc: {  	s8 =	sor.u32 $0x8000, s6;
	s31 =	smax.u32 s1, $0x1;
	s0 =	sadd.s32 s7, s0  }
0xd: {  	s9 =	sor.u32 $0xC000, s6;
	[dreg:$0x5] =	wrdreg s31;
	s0 =	sadd.s32 $0x400, s0  }
0xe: {  	s10 =	sor.u32 $0x10000, s6;
	s7 =	sor.u32 $0x4000, s6;
	[dreg:$0x4] =	wrdreg s0  }
.LBB2_1:
0xf: {  	s0 =	rddreg [dreg:$0x4];
	s29 =	simm.s32 $0xB  }
0x10: {  	[tilespmem:s4], [sflag:$0xB] =	stream.linear.gather [hbm4b:s0+s4], $0x6400, $0x38;
	[tilespmem:$0x1A400] =	vst v63  }
0x11: {  	_ =	swait.ge [sflag:s29], $0x6400  }
0x12: {  	[sflag:s29] =	ssyncset.done $0x0  }
0x13: {  	[sflag:s29] =	ssyncadd.s32 $0xFFFF9C00  }
0x14: {  	[tilespmem:s14], [sflag:$0x1] =	stream.indirect.gather [hbm4b:s2+s13], $0x80, s4, s13, $0xb8;
	[tilespmem:$0x1A400] =	vst v63  }
0x15: {  	s31 =	simm.s32 $0x0  }
0x16: {  	[tilespmem:s15], [sflag:$0x2] =	stream.indirect.gather [hbm4b:s2+s13], $0x80, s13, s13, $0xb8;
	[tilespmem:$0x1A400] =	vst v63  }
.LBB2_2:
0x17: {  	p0 =	seq.s32 s31, $0x0  }
0x18: {  	s1 =	smul.u32 $0xA00, s31;
	s0 =	simm.s32 @!p0 $0x8  }
0x19: {  	_ =	swait.ge @!p0 [sflag:s0], $0x4000  }
0x1a: {  	s1 =	sshra.s32 s1, $0x2;
	[sflag:s0] =	ssyncset.done @!p0 $0x0  }
0x1b: {  	s26 =	sadd.s32 $0x100, s1;
	[sflag:s0] =	ssyncadd.s32 @!p0 $0xFFFFC000  }
0x1c: {  	[tilespmem:s16], [sflag:$0x3] =	stream.indirect.gather [hbm4b:s2+s13], $0x80, s26, s13, $0xb8;
	[tilespmem:$0x1A400] =	vst v63  }
0x1d: {  	_ =	swait.ge [sflag:s17], $0x4000  }
0x1e: {  	[sflag:s17] =	ssyncset.done $0x0  }
0x1f: {  	s6 =	simm.s32 $0x6480;
	[sflag:s17] =	ssyncadd.s32 $0xFFFFC000  }
0x20: {  	v47 =	vld [tilespmem:s6+$0x0]  }
0x21: {  	v44 =	vld [tilespmem:s6+$0x10]  }
0x22: {  	v39 =	vld [tilespmem:s6+$0xFFFFFF90]  }
0x23: {  	v45 =	vld [tilespmem:s6+$0x20]  }
0x24: {  	v40 =	vld [tilespmem:s6+$0xFFFFFF80]  }
0x25: {  	v42 =	vld [tilespmem:s6+$0x30]  }
0x26: {  	v38 =	vld [tilespmem:s6+$0xFFFFFFA0];
	v0 =	vmul.f32 v47, v47;
	v1 =	vmul.f32 v44, v44  }
0x27: {  	v43 =	vld [tilespmem:s6+$0x40]  }
0x28: {  	v18 =	vld [tilespmem:s6+$0xFFFFFFB0];
	v0 =	vadd.f32 v1, v0;
	v1 =	vmul.f32 v45, v45  }
0x29: {  	v46 =	vld [tilespmem:s6+$0x50];
	v2 =	vmul.f32 v39, v39;
	v3 =	vmul.f32 v40, v40  }
0x2a: {  	v25 =	vld [tilespmem:s6+$0xFFFFFFC0];
	v0 =	vadd.f32 v1, v0;
	v1 =	vmul.f32 v42, v42  }
0x2b: {  	v6 =	vld [tilespmem:s6+$0x60];
	v2 =	vadd.f32 v2, v3;
	v3 =	vmul.f32 v38, v38  }
0x2c: {  	v27 =	vld [tilespmem:s6+$0xFFFFFFD0];
	v0 =	vadd.f32 v1, v0;
	v1 =	vmul.f32 v43, v43  }
0x2d: {  	v48 =	vld [tilespmem:s6+$0x70];
	v2 =	vadd.f32 v3, v2;
	v3 =	vmul.f32 v18, v18  }
0x2e: {  	v0 =	vadd.f32 v1, v0;
	v1 =	vmul.f32 v46, v46  }
0x2f: {  	v33 =	vld [tilespmem:s6+$0xFFFFFFE0];
	v2 =	vadd.f32 v3, v2;
	v3 =	vmul.f32 v25, v25  }
0x30: {  	v0 =	vadd.f32 v1, v0;
	v1 =	vmul.f32 v6, v6  }
0x31: {  	v37 =	vld [tilespmem:s6+$0xFFFFFFF0];
	v2 =	vadd.f32 v3, v2  }
0x32: {  	v3 =	vmul.f32 v27, v27;
	v0 =	vadd.f32 v1, v0;
	v1 =	vmul.f32 v48, v48;
	_ =	sdelay $0x1  }
0x33: {  	v2 =	vadd.f32 v3, v2;
	v3 =	vmul.f32 v33, v33;
	v0 =	vadd.f32 v1, v0  }
0x34: {  	s0 =	simm.s32 $0x6580  }
0x35: {  	v14 =	vld [tilespmem:s0+$0x0];
	v2 =	vadd.f32 v3, v2;
	v1 =	vmul.f32 v37, v37;
	(xrf2) =	vadd.scan.msk.f32 $0xffff, v0  }
0x36: {  	v12 =	vld [tilespmem:s0+$0x10]  }
0x37: {  	v0 =	vadd.f32 v1, v2  }
0x38: {  	v19 =	vld [tilespmem:s0+$0x20]  }
0x39: {  	(xrf2) =	vadd.scan.msk.f32 $0xffff, v0  }
0x3a: {  	v0 =	vld [tilespmem:s0+$0x30]  }
0x3b: {  	v4 =	vld [tilespmem:s0+$0xFFFFFF90];
	v3 =	vmul.f32 v12, v12;
	v1 =	vmul.f32 v14, v14  }
0x3c: {  	v2 =	vld [tilespmem:s0+$0x40]  }
0x3d: {  	v5 =	vld [tilespmem:s0+$0xFFFFFF80];
	v10 =	vmul.f32 v19, v19;
	v3 =	vadd.f32 v3, v1  }
0x3e: {  	v1 =	vld [tilespmem:s0+$0x50]  }
0x3f: {  	v7 =	vld [tilespmem:s0+$0xFFFFFFA0];
	v10 =	vadd.f32 v10, v3;
	v16 =	vmul.f32 v0, v0;
	v8, _, _ =	vpop (xrf2)  }
0x40: {  	v3 =	vld [tilespmem:s0+$0x60];
	(v2sf) =	vpush v8, $0xF  }
0x41: {  	v9 =	vld [tilespmem:s0+$0xFFFFFFB0];
	v10 =	vadd.f32 v16, v10;
	v16 =	vmul.f32 v2, v2  }
0x42: {  	v23 =	vld [tilespmem:s0+$0x70];
	v11 =	vmul.f32 v4, v4;
	v13 =	vmul.f32 v5, v5  }
0x43: {  	v20 =	vmul.f32 v1, v1;
	v8 =	vld [tilespmem:s0+$0xFFFFFFC0];
	v16 =	vadd.f32 v16, v10;
	v15, _, _ =	vpop (xrf2)  }
0x44: {  	v13 =	vadd.f32 v11, v13;
	(v2sf) =	vpush v15, $0xF;
	v15 =	vmul.f32 v7, v7  }
0x45: {  	v11 =	vld [tilespmem:s0+$0xFFFFFFD0];
	v16 =	vadd.f32 v20, v16;
	v20 =	vmul.f32 v3, v3  }
0x46: {  	v13 =	vadd.f32 v15, v13;
	v15 =	vmul.f32 v9, v9  }
0x47: {  	v17 =	vld [tilespmem:s0+$0xFFFFFFE0];
	v16 =	vadd.f32 v20, v16;
	v20 =	vmul.f32 v23, v23  }
0x48: {  	v13 =	vadd.f32 v15, v13;
	v15 =	vmul.f32 v8, v8  }
0x49: {  	v10 =	vld [tilespmem:s0+$0xFFFFFFF0];
	v16 =	vadd.f32 v20, v16  }
0x4a: {  	v13 =	vadd.f32 v15, v13;
	v15 =	vmul.f32 v11, v11  }
0x4b: {  	(xrf2) =	vadd.scan.msk.f32 $0xffff, v16  }
0x4c: {  	v13 =	vadd.f32 v15, v13;
	v15 =	vmul.f32 v17, v17;
	_ =	sdelay $0x1  }
0x4d: {  	v20 =	vmul.f32 v10, v10;
	v13 =	vadd.f32 v15, v13  }
0x4e: {  	s11 =	spop (v2sf)  }
0x4f: {  	v13 =	vadd.f32 v20, v13;
	s11 =	smax.f32 s11, $1.000000020e-24  }
0x50: {  	v15 =	vmov s11;
	s11 =	simm.s32 $0x6680  }
0x51: {  	(xrf2) =	vadd.scan.msk.f32 $0xffff, v13;
	v13 =	vshra.s32 v15, $0x1;
	v30 =	vmul.f32 $5.000000000e-01, v15;
	v15 =	vld [tilespmem:s11+$0x0]  }
0x52: {  	v16 =	vld [tilespmem:s11+$0x10]  }
0x53: {  	s12 =	spop (v2sf);
	v26 =	vld [tilespmem:s11+$0xFFFFFF80]  }
0x54: {  	s12 =	smax.f32 s12, $1.000000020e-24;
	v36, _, _ =	vpop (xrf2);
	v24 =	vsub.s32 $0x5F3759DF, v13;
	v13 =	vld [tilespmem:s11+$0xFFFFFF90]  }
0x55: {  	v21 =	vmov s12;
	(v2sf) =	vpush v36, $0xF;
	v36 =	vld [tilespmem:s11+$0xFFFFFFD0];
	v20 =	vmul.f32 v24, v30  }
0x56: {  	v22 =	vshra.s32 v21, $0x1;
	v49 =	vmul.f32 $5.000000000e-01, v21;
	v21 =	vld [tilespmem:s11+$0x20]  }
0x57: {  	v31 =	vsub.s32 $0x5F3759DF, v22;
	v22 =	vld [tilespmem:s11+$0x40];
	v28 =	vmul.f32 v24, v20  }
0x58: {  	v32 =	vmul.f32 v31, v49;
	v20 =	vld [tilespmem:s11+$0x30]  }
0x59: {  	v34 =	vmul.f32 v15, v15;
	v35 =	vmul.f32 v16, v16;
	v29 =	vsub.f32 $1.500000000e+00, v28;
	v28 =	vld [tilespmem:s11+$0xFFFFFFA0]  }
0x5a: {  	v56 =	vmul.f32 v26, v26;
	v51 =	vmul.f32 v31, v32;
	v32 =	vld [tilespmem:s11+$0xFFFFFFC0]  }
0x5b: {  	v34 =	vadd.f32 v35, v34;
	v63 =	vmul.f32 v21, v21;
	v50 =	vmul.f32 v24, v29;
	v29 =	vld [tilespmem:s11+$0xFFFFFFB0]  }
0x5c: {  	v41 =	vmul.f32 v13, v13;
	v24 =	vld [tilespmem:s11+$0x50];
	v52, _, _ =	vpop (xrf2);
	v55 =	vmul.f32 v22, v22;
	v51 =	vsub.f32 $1.500000000e+00, v51  }
0x5d: {  	v35 =	vld [tilespmem:s11+$0x70];
	v34 =	vadd.f32 v63, v34;
	v57 =	vmul.f32 v20, v20;
	(v2sf) =	vpush v52, $0xF  }
0x5e: {  	v41 =	vadd.f32 v41, v56;
	v53 =	vmul.f32 v50, v30;
	v30 =	vld [tilespmem:s11+$0x60];
	v58 =	vmul.f32 v28, v28  }
0x5f: {  	v63 =	vmul.f32 v36, v36;
	v51 =	vmul.f32 v31, v51;
	v31 =	vld [tilespmem:s11+$0xFFFFFFF0];
	v54 =	vadd.f32 v57, v34  }
0x60: {  	v34 =	vld [tilespmem:s11+$0xFFFFFFE0];
	v53 =	vmul.f32 v53, v50;
	v41 =	vadd.f32 v58, v41;
	v59 =	vmul.f32 v29, v29  }
0x61: {  	v56 =	vmul.f32 v32, v32;
	v54 =	vadd.f32 v55, v54;
	v60 =	vmul.f32 v24, v24  }
0x62: {  	v49 =	vmul.f32 v51, v49;
	v53 =	vsub.f32 $1.500000000e+00, v53;
	v52 =	vadd.f32 v59, v41  }
0x63: {  	v57 =	vmul.f32 v35, v35;
	v61 =	vadd.f32 v60, v54;
	v62 =	vmul.f32 v30, v30  }
0x64: {  	v49 =	vmul.f32 v49, v51;
	v41 =	vmul.f32 v53, v50;
	v52 =	vadd.f32 v56, v52  }
0x65: {  	v59 =	vmul.f32 v31, v31;
	v58 =	vmul.f32 v34, v34;
	v50 =	vadd.f32 v62, v61  }
0x66: {  	v49 =	vsub.f32 $1.500000000e+00, v49;
	v48 =	vmul.f32 v41, v48;
	v52 =	vadd.f32 v63, v52  }
0x67: {  	v47 =	vmul.f32 v41, v47;
	v61 =	vmul.f32 v41, v44;
	v50 =	vadd.f32 v57, v50  }
0x68: {  	s29 =	spop (v2sf);
	v45 =	vmul.f32 v41, v45;
	v44 =	vmul.f32 v41, v42;
	[tilespmem:s6+$0x70] =	vst v48;
	v60 =	vadd.f32 v58, v52  }
0x69: {  	s12 =	smax.f32 s29, $1.000000020e-24;
	v43 =	vmul.f32 v41, v43;
	[tilespmem:s6+$0x0] =	vst v47;
	(xrf2) =	vadd.scan.msk.f32 $0xffff, v50;
	v50 =	vmul.f32 v49, v51  }
0x6a: {  	v42 =	vmul.f32 v41, v46;
	v63 =	vmov s12;
	[tilespmem:s6+$0x10] =	vst v61;
	v62 =	vadd.f32 v59, v60  }
0x6b: {  	[tilespmem:s6+$0x20] =	vst v45;
	v51 =	vmul.f32 $5.000000000e-01, v63;
	v40 =	vmul.f32 v50, v40  }
0x6c: {  	s26 =	simm.s32 $0x6780;
	s12 =	simm.s32 $0x4;
	v45 =	vshra.s32 v63, $0x1;
	v49 =	vmul.f32 v50, v39;
	v52 =	vmul.f32 v50, v38;
	s28 =	spop (v2sf);
	(xrf2) =	vadd.scan.msk.f32 $0xffff, v62  }
.LBB2_3:
0x6d: {  	v53 =	vsub.s32 $0x5F3759DF, v45;
	v54 =	vmul.f32 v50, v18;
	v25 =	vmul.f32 v50, v25;
	v38 =	vmovc v21  }
0x6e: {  	v47 =	vld [tilespmem:s26+$0x0];
	s28 =	smax.f32 s28, $1.000000020e-24;
	[tilespmem:s6+$0xFFFFFF80] =	vst v40;
	v40 =	vmovc v5;
	v5 =	vmovc v26;
	v46 =	vmov v0;
	v0 =	vmov v20;
	v39 =	vmov v7  }
0x6f: {  	s12 =	sadd.s32 $0x2, s12;
	v27 =	vmul.f32 v50, v27;
	v7 =	vmovc v28;
	v48 =	vld [tilespmem:s26+$0x10];
	v21 =	vmov s28;
	v20 =	vmul.f32 v53, v51;
	[tilespmem:s6+$0xFFFFFF90] =	vst v49;
	v49 =	vmovc v2  }
0x70: {  	v33 =	vmul.f32 v50, v33;
	v18 =	vmovc v9;
	p1 =	slt.u32 s12, $0x7E;
	v2 =	vmovc v22;
	v45 =	vld [tilespmem:s26+$0xFFFFFF90];
	v26 =	vshra.s32 v21, $0x1;
	v55 =	vmul.f32 $5.000000000e-01, v21;
	[tilespmem:s6+$0xFFFFFFA0] =	vst v52  }
0x71: {  	v37 =	vmul.f32 v50, v37;
	v9 =	vmovc v29;
	v21 =	vld [tilespmem:s26+$0x20];
	v52 =	vsub.s32 $0x5F3759DF, v26;
	v22 =	vmul.f32 v53, v20;
	[tilespmem:s6+$0xFFFFFFB0] =	vst v54  }
0x72: {  	v41 =	vmul.f32 v41, v6;
	v26 =	vld [tilespmem:s26+$0xFFFFFF80];
	v50 =	vmul.f32 v52, v55;
	[tilespmem:s6+$0xFFFFFFC0] =	vst v25;
	v54 =	vmovc v1;
	v1 =	vmov v24  }
0x73: {  	v6 =	vmovc v3;
	v3 =	vmovc v30;
	v25 =	vmov v8;
	v8 =	vmov v32;
	v20 =	vld [tilespmem:s26+$0x30];
	v24 =	vsub.f32 $1.500000000e+00, v22;
	[tilespmem:s6+$0xFFFFFFD0] =	vst v27  }
0x74: {  	v30 =	vmul.f32 v47, v47;
	v27 =	vmov v11;
	v28 =	vld [tilespmem:s26+$0xFFFFFFA0];
	v32 =	vmul.f32 v48, v48;
	v29, _, _ =	vpop (xrf2);
	[tilespmem:s6+$0xFFFFFFE0] =	vst v33  }
0x75: {  	v11 =	vmovc v36;
	v56 =	vmul.f32 v45, v45;
	v22 =	vld [tilespmem:s26+$0x40];
	(v2sf) =	vpush v29, $0xF;
	v53 =	vmul.f32 v53, v24;
	[tilespmem:s6+$0xFFFFFFF0] =	vst v37  }
0x76: {  	v37 =	vmul.f32 v52, v50;
	v29 =	vld [tilespmem:s26+$0xFFFFFFB0];
	v30 =	vadd.f32 v32, v30;
	v36 =	vmul.f32 v21, v21;
	[tilespmem:s6+$0x30] =	vst v44  }
0x77: {  	v33 =	vmov v17;
	v44 =	vmul.f32 v26, v26;
	v24 =	vld [tilespmem:s26+$0x50];
	v50, _, _ =	vpop (xrf2);
	v51 =	vmul.f32 v53, v51;
	[tilespmem:s6+$0x40] =	vst v43  }
0x78: {  	v17 =	vmovc v34;
	v32 =	vld [tilespmem:s26+$0xFFFFFFC0];
	v43 =	vadd.f32 v36, v30;
	v57 =	vmul.f32 v20, v20;
	(v2sf) =	vpush v50, $0xF;
	[tilespmem:s6+$0x50] =	vst v42  }
0x79: {  	v34 =	vadd.f32 v56, v44;
	v42 =	vmul.f32 v28, v28;
	v30 =	vld [tilespmem:s26+$0x60];
	v44 =	vmul.f32 v51, v53;
	[tilespmem:s6+$0x60] =	vst v41;
	s6 =	smov.u32 s0;
	s0 =	smov.u32 s11;
	s11 =	smov.u32 s26  }
0x7a: {  	v50 =	vsub.f32 $1.500000000e+00, v37;
	v37 =	vmovc v10;
	v10 =	vmovc v31;
	v36 =	vld [tilespmem:s26+$0xFFFFFFD0];
	v41 =	vadd.f32 v57, v43;
	v43 =	vmul.f32 v22, v22  }
0x7b: {  	v31 =	vadd.f32 v42, v34;
	v42 =	vmul.f32 v29, v29;
	v51 =	vld [tilespmem:s26+$0x70];
	v44 =	vsub.f32 $1.500000000e+00, v44  }
0x7c: {  	v50 =	vmul.f32 v52, v50;
	v34 =	vld [tilespmem:s26+$0xFFFFFFE0];
	v43 =	vadd.f32 v43, v41;
	v56 =	vmul.f32 v24, v24  }
0x7d: {  	v42 =	vadd.f32 v42, v31;
	v52 =	vmul.f32 v32, v32;
	v31 =	vld [tilespmem:s26+$0xFFFFFFF0];
	v41 =	vmul.f32 v44, v53  }
0x7e: {  	v53 =	vmul.f32 v50, v55;
	v43 =	vadd.f32 v56, v43;
	v44 =	vmul.f32 v30, v30  }
0x7f: {  	v42 =	vadd.f32 v52, v42;
	v52 =	vmul.f32 v36, v36;
	v55 =	vmul.f32 v41, v23;
	v23 =	vmovc v35  }
0x80: {  	v53 =	vmul.f32 v53, v50;
	v43 =	vadd.f32 v44, v43;
	v44 =	vmul.f32 v51, v51;
	v35 =	vmovc v51  }
0x81: {  	v42 =	vadd.f32 v52, v42;
	v51 =	vmul.f32 v34, v34;
	v52 =	vmul.f32 v41, v14;
	[tilespmem:s6+$0x70] =	vst v55  }
0x82: {  	v14 =	vmovc v15;
	v15 =	vmovc v47;
	v55 =	vmul.f32 v31, v31;
	v43 =	vadd.f32 v44, v43;
	v44 =	vsub.f32 $1.500000000e+00, v53  }
.Ltmp0:
0x83: {  	v19 =	vmul.f32 v41, v19;
	v47 =	vmul.f32 v41, v12;
	v42 =	vadd.f32 v51, v42;
	[tilespmem:s6+$0x0] =	vst v52;
	(pc) =	sbr.rel @p1 .LBB2_3-.Ltmp0, $4  }
0x84: {  	v12 =	vmovc v16;
	v16 =	vmov v48;
	(xrf2) =	vadd.scan.msk.f32 $0xffff, v43;
	s28 =	spop (v2sf);
	v50 =	vmul.f32 v44, v50;
	v44 =	vmul.f32 v41, v46  }
0x85: {  	v43 =	vmul.f32 v41, v49;
	v46 =	vadd.f32 v55, v42;
	s28 =	smax.f32 s28, $1.000000020e-24;
	[tilespmem:s6+$0x10] =	vst v47;
	v42 =	vmul.f32 v41, v54  }
0x86: {  	v47 =	vmov s28;
	v40 =	vmul.f32 v50, v40;
	v49 =	vmul.f32 v50, v4;
	[tilespmem:s6+$0x20] =	vst v19;
	v4 =	vmovc v13;
	v13 =	vmovc v45  }
0x87: {  	s26 =	sadd.s32 $0x100, s26;
	v52 =	vmul.f32 v50, v39;
	v19 =	vmovc v38;
	(xrf2) =	vadd.scan.msk.f32 $0xffff, v46;
	v45 =	vshra.s32 v47, $0x1;
	v51 =	vmul.f32 $5.000000000e-01, v47;
	s28 =	spop (v2sf)  }
0x88: {  	_ =	sdelay $0x5  }
0x89: {  	v38, _, _ =	vpop (xrf2)  }
0x8a: {  	(v2sf) =	vpush v38, $0xF;
	_ =	sdelay $0x1  }
0x8b: {  	v61 =	vsub.s32 $0x5F3759DF, v45  }
0x8c: {  	s12 =	smax.f32 s28, $1.000000020e-24;
	v39 =	vmul.f32 v61, v51;
	v62, _, _ =	vpop (xrf2)  }
0x8d: {  	v46 =	vmov s12;
	(v2sf) =	vpush v62, $0xF  }
0x8e: {  	v63 =	vshra.s32 v46, $0x1;
	v46 =	vmul.f32 $5.000000000e-01, v46;
	v39 =	vmul.f32 v61, v39  }
0x8f: {  	v45 =	vsub.s32 $0x5F3759DF, v63  }
0x90: {  	v47 =	vmul.f32 v45, v46;
	v39 =	vsub.f32 $1.500000000e+00, v39;
	_ =	sdelay $0x1  }
0x91: {  	v48 =	vmul.f32 v45, v47;
	v38 =	vmul.f32 v61, v39  }
0x92: {  	[tilespmem:s6+$0xFFFFFF80] =	vst v40  }
0x93: {  	v18 =	vmul.f32 v50, v18;
	[tilespmem:s6+$0xFFFFFF90] =	vst v49;
	v39 =	vsub.f32 $1.500000000e+00, v48;
	v53 =	vmul.f32 v38, v51  }
0x94: {  	v25 =	vmul.f32 v50, v25;
	v27 =	vmul.f32 v50, v27;
	[tilespmem:s6+$0x30] =	vst v44  }
0x95: {  	[tilespmem:s6+$0xFFFFFFB0] =	vst v18;
	v39 =	vmul.f32 v45, v39;
	v18 =	vmul.f32 v53, v38  }
0x96: {  	[tilespmem:s6+$0xFFFFFFC0] =	vst v25  }
0x97: {  	v25 =	vmul.f32 v50, v37;
	[tilespmem:s6+$0xFFFFFFD0] =	vst v27;
	v27 =	vmul.f32 v39, v46;
	v18 =	vsub.f32 $1.500000000e+00, v18;
	s26 =	spop (v2sf)  }
0x98: {  	v33 =	vmul.f32 v50, v33;
	[tilespmem:s6+$0x40] =	vst v43;
	s12 =	smax.f32 s26, $1.000000020e-24  }
0x99: {  	[tilespmem:s6+$0xFFFFFFF0] =	vst v25;
	v25 =	vmul.f32 v27, v39;
	v18 =	vmul.f32 v18, v38;
	v27 =	vmov s12  }
0x9a: {  	v6 =	vmul.f32 v41, v6;
	[tilespmem:s6+$0x50] =	vst v42;
	v54 =	vshra.s32 v27, $0x1;
	v27 =	vmul.f32 $5.000000000e-01, v27  }
0x9b: {  	[tilespmem:s6+$0xFFFFFFE0] =	vst v33;
	v25 =	vsub.f32 $1.500000000e+00, v25;
	v23 =	vmul.f32 v18, v23;
	s29 =	spop (v2sf);
	v33 =	vsub.s32 $0x5F3759DF, v54  }
0x9c: {  	[tilespmem:s6+$0xFFFFFFA0] =	vst v52;
	v14 =	vmul.f32 v18, v14;
	s12 =	smax.f32 s29, $1.000000020e-24;
	v55 =	vmul.f32 v33, v27  }
0x9d: {  	[tilespmem:s6+$0x60] =	vst v6;
	v6 =	vmul.f32 v18, v12;
	v12 =	vmul.f32 v25, v39;
	v25 =	vmov s12  }
0x9e: {  	[tilespmem:s0+$0x70] =	vst v23;
	v23 =	vshra.s32 v25, $0x1;
	v25 =	vmul.f32 $5.000000000e-01, v25;
	v37 =	vmul.f32 v33, v55  }
0x9f: {  	v0 =	vmul.f32 v18, v0;
	[tilespmem:s0+$0x0] =	vst v14;
	v14 =	vmul.f32 v18, v19;
	v19 =	vsub.s32 $0x5F3759DF, v23  }
0xa0: {  	[tilespmem:s0+$0x10] =	vst v6;
	v5 =	vmul.f32 v12, v5;
	v6 =	vmul.f32 v19, v25;
	v23 =	vsub.f32 $1.500000000e+00, v37  }
0xa1: {  	[tilespmem:s0+$0x30] =	vst v0;
	v4 =	vmul.f32 v12, v4;
	v7 =	vmul.f32 v12, v7  }
0xa2: {  	[tilespmem:s0+$0xFFFFFF80] =	vst v5;
	v6 =	vmul.f32 v19, v6;
	v5 =	vmul.f32 v33, v23  }
0xa3: {  	v2 =	vmul.f32 v18, v2;
	[tilespmem:s0+$0xFFFFFF90] =	vst v4  }
0xa4: {  	v4 =	vmul.f32 v12, v8;
	[tilespmem:s0+$0xFFFFFFA0] =	vst v7;
	v6 =	vsub.f32 $1.500000000e+00, v6;
	v7 =	vmul.f32 v5, v27  }
0xa5: {  	v1 =	vmul.f32 v18, v1;
	[tilespmem:s0+$0x40] =	vst v2;
	v8 =	vmul.f32 v12, v11  }
0xa6: {  	[tilespmem:s0+$0xFFFFFFC0] =	vst v4;
	v6 =	vmul.f32 v19, v6;
	v4 =	vmul.f32 v7, v5  }
0xa7: {  	v3 =	vmul.f32 v18, v3;
	[tilespmem:s0+$0x50] =	vst v1  }
0xa8: {  	[tilespmem:s0+$0xFFFFFFD0] =	vst v8;
	v8 =	vmul.f32 v6, v25;
	v4 =	vsub.f32 $1.500000000e+00, v4  }
0xa9: {  	[tilespmem:s0+$0x60] =	vst v3;
	v9 =	vmul.f32 v12, v9;
	v11 =	vmul.f32 v12, v17  }
0xaa: {  	[tilespmem:s0+$0x20] =	vst v14;
	v0 =	vmul.f32 v4, v5;
	v4 =	vmul.f32 v8, v6  }
0xab: {  	[tilespmem:s0+$0xFFFFFFB0] =	vst v9;
	v7 =	vmul.f32 v12, v10  }
0xac: {  	[tilespmem:s0+$0xFFFFFFE0] =	vst v11;
	v1 =	vmul.f32 v0, v35;
	v2 =	vsub.f32 $1.500000000e+00, v4  }
0xad: {  	[tilespmem:s0+$0xFFFFFFF0] =	vst v7;
	v3 =	vmul.f32 v0, v15  }
0xae: {  	[tilespmem:s11+$0x70] =	vst v1;
	v1 =	vmul.f32 v0, v16;
	v2 =	vmul.f32 v2, v6  }
0xaf: {  	[tilespmem:s11+$0x0] =	vst v3;
	v3 =	vmul.f32 v0, v21  }
0xb0: {  	[tilespmem:s11+$0x10] =	vst v1;
	v1 =	vmul.f32 v2, v26  }
0xb1: {  	v4 =	vmul.f32 v2, v13;
	[tilespmem:s11+$0x20] =	vst v3  }
0xb2: {  	v3 =	vmul.f32 v2, v28;
	[tilespmem:s11+$0xFFFFFF80] =	vst v1  }
0xb3: {  	v1 =	vmul.f32 v2, v29;
	[tilespmem:s11+$0xFFFFFF90] =	vst v4  }
0xb4: {  	v4 =	vmul.f32 v2, v32;
	[tilespmem:s11+$0xFFFFFFA0] =	vst v3  }
0xb5: {  	v3 =	vmul.f32 v2, v36;
	[tilespmem:s11+$0xFFFFFFB0] =	vst v1  }
0xb6: {  	v1 =	vmul.f32 v2, v34;
	[tilespmem:s11+$0xFFFFFFC0] =	vst v4  }
0xb7: {  	v2 =	vmul.f32 v2, v31;
	[tilespmem:s11+$0xFFFFFFD0] =	vst v3  }
0xb8: {  	v3 =	vmul.f32 v0, v20;
	[tilespmem:s11+$0xFFFFFFE0] =	vst v1  }
0xb9: {  	s6 =	smul.u32 $0x280, s31;
	v1 =	vmul.f32 v0, v22;
	[tilespmem:s11+$0xFFFFFFF0] =	vst v2  }
0xba: {  	v2 =	vmul.f32 v0, v24;
	[tilespmem:s11+$0x30] =	vst v3  }
0xbb: {  	s0 =	sadd.s32 s5, s6;
	v0 =	vmul.f32 v0, v30;
	[tilespmem:s11+$0x40] =	vst v1  }
0xbc: {  	s0 =	sshll.u32 s0, $0x4;
	[tilespmem:s11+$0x50] =	vst v2  }
0xbd: {  	s0 =	sadd.s32 s3, s0;
	[tilespmem:s11+$0x60] =	vst v0  }
0xbe: {  	[hbm4b:s0+s4] =	stream.linear.scatter [tilespmem:s14], [sflag:$0x6], $0x4000, $0x38;
	[tilespmem:$0x1A400] =	vst v63  }
0xbf: {  	s0 =	simm.s32 @!p0 $0x9  }
0xc0: {  	_ =	swait.ge @!p0 [sflag:s0], $0x4000  }
0xc1: {  	[sflag:s0] =	ssyncset.done @!p0 $0x0  }
0xc2: {  	s11 =	sadd.s32 $0x180, s1;
	[sflag:s0] =	ssyncadd.s32 @!p0 $0xFFFFC000  }
0xc3: {  	[tilespmem:s18], [sflag:$0x4] =	stream.indirect.gather [hbm4b:s2+s13], $0x80, s11, s13, $0xb8;
	[tilespmem:$0x1A400] =	vst v63  }
0xc4: {  	_ =	swait.ge [sflag:s19], $0x4000  }
0xc5: {  	[sflag:s19] =	ssyncset.done $0x0  }
0xc6: {  	s6 =	simm.s32 $0xA480;
	[sflag:s19] =	ssyncadd.s32 $0xFFFFC000  }
0xc7: {  	v47 =	vld [tilespmem:s6+$0x0]  }
0xc8: {  	v44 =	vld [tilespmem:s6+$0x10]  }
0xc9: {  	v39 =	vld [tilespmem:s6+$0xFFFFFF90]  }
0xca: {  	v45 =	vld [tilespmem:s6+$0x20]  }
0xcb: {  	v40 =	vld [tilespmem:s6+$0xFFFFFF80]  }
0xcc: {  	v42 =	vld [tilespmem:s6+$0x30]  }
0xcd: {  	v38 =	vld [tilespmem:s6+$0xFFFFFFA0];
	v0 =	vmul.f32 v47, v47;
	v1 =	vmul.f32 v44, v44  }
0xce: {  	v43 =	vld [tilespmem:s6+$0x40]  }
0xcf: {  	v18 =	vld [tilespmem:s6+$0xFFFFFFB0];
	v0 =	vadd.f32 v1, v0;
	v1 =	vmul.f32 v45, v45  }
0xd0: {  	v46 =	vld [tilespmem:s6+$0x50];
	v2 =	vmul.f32 v39, v39;
	v3 =	vmul.f32 v40, v40  }
0xd1: {  	v25 =	vld [tilespmem:s6+$0xFFFFFFC0];
	v0 =	vadd.f32 v1, v0;
	v1 =	vmul.f32 v42, v42  }
0xd2: {  	v6 =	vld [tilespmem:s6+$0x60];
	v2 =	vadd.f32 v2, v3;
	v3 =	vmul.f32 v38, v38  }
0xd3: {  	v27 =	vld [tilespmem:s6+$0xFFFFFFD0];
	v0 =	vadd.f32 v1, v0;
	v1 =	vmul.f32 v43, v43  }
0xd4: {  	v48 =	vld [tilespmem:s6+$0x70];
	v2 =	vadd.f32 v3, v2;
	v3 =	vmul.f32 v18, v18  }
0xd5: {  	v0 =	vadd.f32 v1, v0;
	v1 =	vmul.f32 v46, v46  }
0xd6: {  	v33 =	vld [tilespmem:s6+$0xFFFFFFE0];
	v2 =	vadd.f32 v3, v2;
	v3 =	vmul.f32 v25, v25  }
0xd7: {  	v0 =	vadd.f32 v1, v0;
	v1 =	vmul.f32 v6, v6  }
0xd8: {  	v37 =	vld [tilespmem:s6+$0xFFFFFFF0];
	v2 =	vadd.f32 v3, v2  }
0xd9: {  	v3 =	vmul.f32 v27, v27;
	v0 =	vadd.f32 v1, v0;
	v1 =	vmul.f32 v48, v48;
	_ =	sdelay $0x1  }
0xda: {  	v2 =	vadd.f32 v3, v2;
	v3 =	vmul.f32 v33, v33;
	v0 =	vadd.f32 v1, v0;
	_ =	sdelay $0x1  }
0xdb: {  	v2 =	vadd.f32 v3, v2;
	v1 =	vmul.f32 v37, v37;
	(xrf2) =	vadd.scan.msk.f32 $0xffff, v0  }
0xdc: {  	s0 =	simm.s32 $0xA580  }
0xdd: {  	v14 =	vld [tilespmem:s0+$0x0];
	v0 =	vadd.f32 v1, v2  }
0xde: {  	v12 =	vld [tilespmem:s0+$0x10]  }
0xdf: {  	(xrf2) =	vadd.scan.msk.f32 $0xffff, v0  }
0xe0: {  	v19 =	vld [tilespmem:s0+$0x20]  }
0xe1: {  	v4 =	vld [tilespmem:s0+$0xFFFFFF90]  }
0xe2: {  	v0 =	vld [tilespmem:s0+$0x30]  }
0xe3: {  	v5 =	vld [tilespmem:s0+$0xFFFFFF80];
	v3 =	vmul.f32 v12, v12;
	v1 =	vmul.f32 v14, v14  }
0xe4: {  	v2 =	vld [tilespmem:s0+$0x40]  }
0xe5: {  	v7 =	vld [tilespmem:s0+$0xFFFFFFA0];
	v10 =	vmul.f32 v19, v19;
	v3 =	vadd.f32 v3, v1;
	v8, _, _ =	vpop (xrf2)  }
0xe6: {  	v1 =	vld [tilespmem:s0+$0x50];
	(v2sf) =	vpush v8, $0xF  }
0xe7: {  	v9 =	vld [tilespmem:s0+$0xFFFFFFB0];
	v10 =	vadd.f32 v10, v3;
	v16 =	vmul.f32 v0, v0  }
0xe8: {  	v11 =	vmul.f32 v4, v4;
	v13 =	vmul.f32 v5, v5;
	v3 =	vld [tilespmem:s0+$0x60]  }
0xe9: {  	v10 =	vadd.f32 v16, v10;
	v16 =	vmul.f32 v2, v2;
	v8 =	vld [tilespmem:s0+$0xFFFFFFC0];
	v15, _, _ =	vpop (xrf2)  }
0xea: {  	v23 =	vld [tilespmem:s0+$0x70];
	v13 =	vadd.f32 v11, v13;
	(v2sf) =	vpush v15, $0xF;
	v15 =	vmul.f32 v7, v7  }
0xeb: {  	v11 =	vld [tilespmem:s0+$0xFFFFFFD0];
	v20 =	vmul.f32 v1, v1;
	v16 =	vadd.f32 v16, v10  }
0xec: {  	v13 =	vadd.f32 v15, v13;
	v15 =	vmul.f32 v9, v9  }
0xed: {  	v17 =	vld [tilespmem:s0+$0xFFFFFFE0];
	v16 =	vadd.f32 v20, v16;
	v20 =	vmul.f32 v3, v3  }
0xee: {  	v13 =	vadd.f32 v15, v13;
	v15 =	vmul.f32 v8, v8  }
0xef: {  	v10 =	vld [tilespmem:s0+$0xFFFFFFF0];
	v16 =	vadd.f32 v20, v16  }
0xf0: {  	v20 =	vmul.f32 v23, v23;
	v13 =	vadd.f32 v15, v13;
	v15 =	vmul.f32 v11, v11;
	_ =	sdelay $0x1  }
0xf1: {  	v16 =	vadd.f32 v20, v16;
	v13 =	vadd.f32 v15, v13;
	v15 =	vmul.f32 v17, v17;
	_ =	sdelay $0x1  }
0xf2: {  	v20 =	vmul.f32 v10, v10;
	(xrf2) =	vadd.scan.msk.f32 $0xffff, v16;
	v13 =	vadd.f32 v15, v13  }
0xf3: {  	s12 =	spop (v2sf)  }
0xf4: {  	v13 =	vadd.f32 v20, v13;
	s11 =	smax.f32 s12, $1.000000020e-24  }
0xf5: {  	v15 =	vmov s11;
	s11 =	simm.s32 $0xA680  }
0xf6: {  	(xrf2) =	vadd.scan.msk.f32 $0xffff, v13;
	v13 =	vshra.s32 v15, $0x1;
	v30 =	vmul.f32 $5.000000000e-01, v15;
	v15 =	vld [tilespmem:s11+$0x0]  }
0xf7: {  	v16 =	vld [tilespmem:s11+$0x10]  }
0xf8: {  	s26 =	spop (v2sf);
	v26 =	vld [tilespmem:s11+$0xFFFFFF80]  }
0xf9: {  	s12 =	smax.f32 s26, $1.000000020e-24;
	v32 =	vld [tilespmem:s11+$0xFFFFFFC0];
	v24 =	vsub.s32 $0x5F3759DF, v13  }
0xfa: {  	v21 =	vmov s12;
	v13 =	vld [tilespmem:s11+$0xFFFFFF90];
	v20 =	vmul.f32 v24, v30  }
0xfb: {  	v22 =	vshra.s32 v21, $0x1;
	v49 =	vmul.f32 $5.000000000e-01, v21;
	v21 =	vld [tilespmem:s11+$0x20]  }
0xfc: {  	v59, _, _ =	vpop (xrf2);
	v31 =	vsub.s32 $0x5F3759DF, v22;
	v22 =	vld [tilespmem:s11+$0x40];
	v28 =	vmul.f32 v24, v20  }
0xfd: {  	(v2sf) =	vpush v59, $0xF;
	v56 =	vmul.f32 v31, v49;
	v20 =	vld [tilespmem:s11+$0x30]  }
0xfe: {  	v57 =	vmul.f32 v15, v15;
	v58 =	vmul.f32 v16, v16;
	v29 =	vsub.f32 $1.500000000e+00, v28;
	v28 =	vld [tilespmem:s11+$0xFFFFFFA0]  }
0xff: {  	v36 =	vld [tilespmem:s11+$0xFFFFFFD0];
	v63 =	vmul.f32 v26, v26;
	v62 =	vmul.f32 v31, v56  }
0x100: {  	v34 =	vadd.f32 v58, v57;
	v61 =	vmul.f32 v21, v21;
	v50 =	vmul.f32 v24, v29;
	v29 =	vld [tilespmem:s11+$0xFFFFFFB0]  }
0x101: {  	v60 =	vmul.f32 v13, v13;
	v24 =	vld [tilespmem:s11+$0x50];
	v56, _, _ =	vpop (xrf2);
	v55 =	vmul.f32 v22, v22;
	v51 =	vsub.f32 $1.500000000e+00, v62  }
0x102: {  	v35 =	vld [tilespmem:s11+$0x70];
	v34 =	vadd.f32 v61, v34;
	v57 =	vmul.f32 v20, v20;
	(v2sf) =	vpush v56, $0xF  }
0x103: {  	v41 =	vadd.f32 v60, v63;
	v53 =	vmul.f32 v50, v30;
	v30 =	vld [tilespmem:s11+$0x60];
	v58 =	vmul.f32 v28, v28  }
0x104: {  	v63 =	vmul.f32 v36, v36;
	v51 =	vmul.f32 v31, v51;
	v31 =	vld [tilespmem:s11+$0xFFFFFFF0];
	v54 =	vadd.f32 v57, v34  }
0x105: {  	v34 =	vld [tilespmem:s11+$0xFFFFFFE0];
	v53 =	vmul.f32 v53, v50;
	v41 =	vadd.f32 v58, v41;
	v59 =	vmul.f32 v29, v29  }
0x106: {  	v56 =	vmul.f32 v32, v32;
	v54 =	vadd.f32 v55, v54;
	v60 =	vmul.f32 v24, v24  }
0x107: {  	v49 =	vmul.f32 v51, v49;
	v53 =	vsub.f32 $1.500000000e+00, v53;
	v52 =	vadd.f32 v59, v41  }
0x108: {  	v57 =	vmul.f32 v35, v35;
	v61 =	vadd.f32 v60, v54;
	v62 =	vmul.f32 v30, v30  }
0x109: {  	v49 =	vmul.f32 v49, v51;
	v41 =	vmul.f32 v53, v50;
	v52 =	vadd.f32 v56, v52  }
0x10a: {  	v59 =	vmul.f32 v31, v31;
	v58 =	vmul.f32 v34, v34;
	v50 =	vadd.f32 v62, v61  }
0x10b: {  	v49 =	vsub.f32 $1.500000000e+00, v49;
	v48 =	vmul.f32 v41, v48;
	v52 =	vadd.f32 v63, v52  }
0x10c: {  	v47 =	vmul.f32 v41, v47;
	v61 =	vmul.f32 v41, v44;
	v50 =	vadd.f32 v57, v50  }
0x10d: {  	s29 =	spop (v2sf);
	v45 =	vmul.f32 v41, v45;
	v44 =	vmul.f32 v41, v42;
	[tilespmem:s6+$0x70] =	vst v48;
	v60 =	vadd.f32 v58, v52  }
0x10e: {  	s12 =	smax.f32 s29, $1.000000020e-24;
	v43 =	vmul.f32 v41, v43;
	[tilespmem:s6+$0x0] =	vst v47;
	(xrf2) =	vadd.scan.msk.f32 $0xffff, v50;
	v50 =	vmul.f32 v49, v51  }
0x10f: {  	v42 =	vmul.f32 v41, v46;
	v63 =	vmov s12;
	[tilespmem:s6+$0x10] =	vst v61;
	v62 =	vadd.f32 v59, v60  }
0x110: {  	[tilespmem:s6+$0x20] =	vst v45;
	v51 =	vmul.f32 $5.000000000e-01, v63;
	v40 =	vmul.f32 v50, v40  }
0x111: {  	s26 =	simm.s32 $0xA780;
	s12 =	simm.s32 $0x4;
	v45 =	vshra.s32 v63, $0x1;
	v49 =	vmul.f32 v50, v39;
	v52 =	vmul.f32 v50, v38;
	s28 =	spop (v2sf);
	(xrf2) =	vadd.scan.msk.f32 $0xffff, v62  }
.LBB2_5:
0x112: {  	v53 =	vsub.s32 $0x5F3759DF, v45;
	v54 =	vmul.f32 v50, v18;
	v25 =	vmul.f32 v50, v25;
	v38 =	vmovc v21  }
0x113: {  	v47 =	vld [tilespmem:s26+$0x0];
	s28 =	smax.f32 s28, $1.000000020e-24;
	[tilespmem:s6+$0xFFFFFF80] =	vst v40;
	v40 =	vmovc v5;
	v5 =	vmovc v26;
	v46 =	vmov v0;
	v0 =	vmov v20;
	v39 =	vmov v7  }
0x114: {  	s12 =	sadd.s32 $0x2, s12;
	v27 =	vmul.f32 v50, v27;
	v7 =	vmovc v28;
	v48 =	vld [tilespmem:s26+$0x10];
	v21 =	vmov s28;
	v20 =	vmul.f32 v53, v51;
	[tilespmem:s6+$0xFFFFFF90] =	vst v49;
	v49 =	vmovc v2  }
0x115: {  	v33 =	vmul.f32 v50, v33;
	v18 =	vmovc v9;
	p1 =	slt.u32 s12, $0x7E;
	v2 =	vmovc v22;
	v45 =	vld [tilespmem:s26+$0xFFFFFF90];
	v26 =	vshra.s32 v21, $0x1;
	v55 =	vmul.f32 $5.000000000e-01, v21;
	[tilespmem:s6+$0xFFFFFFA0] =	vst v52  }
0x116: {  	v37 =	vmul.f32 v50, v37;
	v9 =	vmovc v29;
	v21 =	vld [tilespmem:s26+$0x20];
	v52 =	vsub.s32 $0x5F3759DF, v26;
	v22 =	vmul.f32 v53, v20;
	[tilespmem:s6+$0xFFFFFFB0] =	vst v54  }
0x117: {  	v41 =	vmul.f32 v41, v6;
	v26 =	vld [tilespmem:s26+$0xFFFFFF80];
	v50 =	vmul.f32 v52, v55;
	[tilespmem:s6+$0xFFFFFFC0] =	vst v25;
	v54 =	vmovc v1;
	v1 =	vmov v24  }
0x118: {  	v6 =	vmovc v3;
	v3 =	vmovc v30;
	v25 =	vmov v8;
	v8 =	vmov v32;
	v20 =	vld [tilespmem:s26+$0x30];
	v24 =	vsub.f32 $1.500000000e+00, v22;
	[tilespmem:s6+$0xFFFFFFD0] =	vst v27  }
0x119: {  	v30 =	vmul.f32 v47, v47;
	v27 =	vmov v11;
	v28 =	vld [tilespmem:s26+$0xFFFFFFA0];
	v32 =	vmul.f32 v48, v48;
	v29, _, _ =	vpop (xrf2);
	[tilespmem:s6+$0xFFFFFFE0] =	vst v33  }
0x11a: {  	v11 =	vmovc v36;
	v56 =	vmul.f32 v45, v45;
	v22 =	vld [tilespmem:s26+$0x40];
	(v2sf) =	vpush v29, $0xF;
	v53 =	vmul.f32 v53, v24;
	[tilespmem:s6+$0xFFFFFFF0] =	vst v37  }
0x11b: {  	v37 =	vmul.f32 v52, v50;
	v29 =	vld [tilespmem:s26+$0xFFFFFFB0];
	v30 =	vadd.f32 v32, v30;
	v36 =	vmul.f32 v21, v21;
	[tilespmem:s6+$0x30] =	vst v44  }
0x11c: {  	v33 =	vmov v17;
	v44 =	vmul.f32 v26, v26;
	v24 =	vld [tilespmem:s26+$0x50];
	v50, _, _ =	vpop (xrf2);
	v51 =	vmul.f32 v53, v51;
	[tilespmem:s6+$0x40] =	vst v43  }
0x11d: {  	v17 =	vmovc v34;
	v32 =	vld [tilespmem:s26+$0xFFFFFFC0];
	v43 =	vadd.f32 v36, v30;
	v57 =	vmul.f32 v20, v20;
	(v2sf) =	vpush v50, $0xF;
	[tilespmem:s6+$0x50] =	vst v42  }
0x11e: {  	v34 =	vadd.f32 v56, v44;
	v42 =	vmul.f32 v28, v28;
	v30 =	vld [tilespmem:s26+$0x60];
	v44 =	vmul.f32 v51, v53;
	[tilespmem:s6+$0x60] =	vst v41;
	s6 =	smov.u32 s0;
	s0 =	smov.u32 s11;
	s11 =	smov.u32 s26  }
0x11f: {  	v50 =	vsub.f32 $1.500000000e+00, v37;
	v37 =	vmovc v10;
	v10 =	vmovc v31;
	v36 =	vld [tilespmem:s26+$0xFFFFFFD0];
	v41 =	vadd.f32 v57, v43;
	v43 =	vmul.f32 v22, v22  }
0x120: {  	v31 =	vadd.f32 v42, v34;
	v42 =	vmul.f32 v29, v29;
	v51 =	vld [tilespmem:s26+$0x70];
	v44 =	vsub.f32 $1.500000000e+00, v44  }
0x121: {  	v50 =	vmul.f32 v52, v50;
	v34 =	vld [tilespmem:s26+$0xFFFFFFE0];
	v43 =	vadd.f32 v43, v41;
	v56 =	vmul.f32 v24, v24  }
0x122: {  	v42 =	vadd.f32 v42, v31;
	v52 =	vmul.f32 v32, v32;
	v31 =	vld [tilespmem:s26+$0xFFFFFFF0];
	v41 =	vmul.f32 v44, v53  }
0x123: {  	v53 =	vmul.f32 v50, v55;
	v43 =	vadd.f32 v56, v43;
	v44 =	vmul.f32 v30, v30  }
0x124: {  	v42 =	vadd.f32 v52, v42;
	v52 =	vmul.f32 v36, v36;
	v55 =	vmul.f32 v41, v23;
	v23 =	vmovc v35  }
0x125: {  	v53 =	vmul.f32 v53, v50;
	v43 =	vadd.f32 v44, v43;
	v44 =	vmul.f32 v51, v51;
	v35 =	vmovc v51  }
0x126: {  	v42 =	vadd.f32 v52, v42;
	v51 =	vmul.f32 v34, v34;
	v52 =	vmul.f32 v41, v14;
	[tilespmem:s6+$0x70] =	vst v55  }
0x127: {  	v14 =	vmovc v15;
	v15 =	vmovc v47;
	v55 =	vmul.f32 v31, v31;
	v43 =	vadd.f32 v44, v43;
	v44 =	vsub.f32 $1.500000000e+00, v53  }
.Ltmp1:
0x128: {  	v19 =	vmul.f32 v41, v19;
	v47 =	vmul.f32 v41, v12;
	v42 =	vadd.f32 v51, v42;
	[tilespmem:s6+$0x0] =	vst v52;
	(pc) =	sbr.rel @p1 .LBB2_5-.Ltmp1, $4  }
0x129: {  	v12 =	vmovc v16;
	v16 =	vmov v48;
	(xrf2) =	vadd.scan.msk.f32 $0xffff, v43;
	s28 =	spop (v2sf);
	v50 =	vmul.f32 v44, v50;
	v44 =	vmul.f32 v41, v46  }
0x12a: {  	v43 =	vmul.f32 v41, v49;
	v46 =	vadd.f32 v55, v42;
	s28 =	smax.f32 s28, $1.000000020e-24;
	[tilespmem:s6+$0x10] =	vst v47;
	v42 =	vmul.f32 v41, v54  }
0x12b: {  	v47 =	vmov s28;
	v40 =	vmul.f32 v50, v40;
	v49 =	vmul.f32 v50, v4;
	[tilespmem:s6+$0x20] =	vst v19;
	v4 =	vmovc v13;
	v13 =	vmovc v45  }
0x12c: {  	s26 =	sadd.s32 $0x100, s26;
	v52 =	vmul.f32 v50, v39;
	v19 =	vmovc v38;
	(xrf2) =	vadd.scan.msk.f32 $0xffff, v46;
	v45 =	vshra.s32 v47, $0x1;
	v51 =	vmul.f32 $5.000000000e-01, v47;
	s28 =	spop (v2sf)  }
0x12d: {  	_ =	sdelay $0x5  }
0x12e: {  	v38, _, _ =	vpop (xrf2)  }
0x12f: {  	(v2sf) =	vpush v38, $0xF;
	_ =	sdelay $0x1  }
0x130: {  	v61 =	vsub.s32 $0x5F3759DF, v45  }
0x131: {  	s12 =	smax.f32 s28, $1.000000020e-24;
	v39 =	vmul.f32 v61, v51;
	v62, _, _ =	vpop (xrf2)  }
0x132: {  	v46 =	vmov s12;
	(v2sf) =	vpush v62, $0xF  }
0x133: {  	v63 =	vshra.s32 v46, $0x1;
	v46 =	vmul.f32 $5.000000000e-01, v46;
	v39 =	vmul.f32 v61, v39  }
0x134: {  	v45 =	vsub.s32 $0x5F3759DF, v63  }
0x135: {  	v47 =	vmul.f32 v45, v46;
	v39 =	vsub.f32 $1.500000000e+00, v39;
	_ =	sdelay $0x1  }
0x136: {  	v48 =	vmul.f32 v45, v47;
	v38 =	vmul.f32 v61, v39  }
0x137: {  	[tilespmem:s6+$0xFFFFFF80] =	vst v40  }
0x138: {  	v18 =	vmul.f32 v50, v18;
	[tilespmem:s6+$0xFFFFFF90] =	vst v49;
	v39 =	vsub.f32 $1.500000000e+00, v48;
	v53 =	vmul.f32 v38, v51  }
0x139: {  	v25 =	vmul.f32 v50, v25;
	v27 =	vmul.f32 v50, v27;
	[tilespmem:s6+$0x30] =	vst v44  }
0x13a: {  	[tilespmem:s6+$0xFFFFFFB0] =	vst v18;
	v39 =	vmul.f32 v45, v39;
	v18 =	vmul.f32 v53, v38  }
0x13b: {  	[tilespmem:s6+$0xFFFFFFC0] =	vst v25  }
0x13c: {  	v25 =	vmul.f32 v50, v37;
	[tilespmem:s6+$0xFFFFFFD0] =	vst v27;
	v27 =	vmul.f32 v39, v46;
	v18 =	vsub.f32 $1.500000000e+00, v18;
	s26 =	spop (v2sf)  }
0x13d: {  	v33 =	vmul.f32 v50, v33;
	[tilespmem:s6+$0x40] =	vst v43;
	s12 =	smax.f32 s26, $1.000000020e-24  }
0x13e: {  	[tilespmem:s6+$0xFFFFFFF0] =	vst v25;
	v25 =	vmul.f32 v27, v39;
	v18 =	vmul.f32 v18, v38;
	v27 =	vmov s12  }
0x13f: {  	v6 =	vmul.f32 v41, v6;
	[tilespmem:s6+$0x50] =	vst v42;
	v54 =	vshra.s32 v27, $0x1;
	v27 =	vmul.f32 $5.000000000e-01, v27  }
0x140: {  	[tilespmem:s6+$0xFFFFFFE0] =	vst v33;
	v25 =	vsub.f32 $1.500000000e+00, v25;
	v23 =	vmul.f32 v18, v23;
	s26 =	spop (v2sf);
	v33 =	vsub.s32 $0x5F3759DF, v54  }
0x141: {  	[tilespmem:s6+$0xFFFFFFA0] =	vst v52;
	v14 =	vmul.f32 v18, v14;
	s12 =	smax.f32 s26, $1.000000020e-24;
	v55 =	vmul.f32 v33, v27  }
0x142: {  	[tilespmem:s6+$0x60] =	vst v6;
	v6 =	vmul.f32 v18, v12;
	v12 =	vmul.f32 v25, v39;
	v25 =	vmov s12  }
0x143: {  	[tilespmem:s0+$0x70] =	vst v23;
	v23 =	vshra.s32 v25, $0x1;
	v25 =	vmul.f32 $5.000000000e-01, v25;
	v37 =	vmul.f32 v33, v55  }
0x144: {  	v0 =	vmul.f32 v18, v0;
	[tilespmem:s0+$0x0] =	vst v14;
	v14 =	vmul.f32 v18, v19;
	v19 =	vsub.s32 $0x5F3759DF, v23  }
0x145: {  	[tilespmem:s0+$0x10] =	vst v6;
	v5 =	vmul.f32 v12, v5;
	v6 =	vmul.f32 v19, v25;
	v23 =	vsub.f32 $1.500000000e+00, v37  }
0x146: {  	[tilespmem:s0+$0x30] =	vst v0;
	v4 =	vmul.f32 v12, v4;
	v7 =	vmul.f32 v12, v7  }
0x147: {  	[tilespmem:s0+$0xFFFFFF80] =	vst v5;
	v6 =	vmul.f32 v19, v6;
	v5 =	vmul.f32 v33, v23  }
0x148: {  	v2 =	vmul.f32 v18, v2;
	[tilespmem:s0+$0xFFFFFF90] =	vst v4  }
0x149: {  	v4 =	vmul.f32 v12, v8;
	[tilespmem:s0+$0xFFFFFFA0] =	vst v7;
	v6 =	vsub.f32 $1.500000000e+00, v6;
	v7 =	vmul.f32 v5, v27  }
0x14a: {  	v1 =	vmul.f32 v18, v1;
	[tilespmem:s0+$0x40] =	vst v2;
	v8 =	vmul.f32 v12, v11  }
0x14b: {  	[tilespmem:s0+$0xFFFFFFC0] =	vst v4;
	v6 =	vmul.f32 v19, v6;
	v4 =	vmul.f32 v7, v5  }
0x14c: {  	v3 =	vmul.f32 v18, v3;
	[tilespmem:s0+$0x50] =	vst v1  }
0x14d: {  	[tilespmem:s0+$0xFFFFFFD0] =	vst v8;
	v8 =	vmul.f32 v6, v25;
	v4 =	vsub.f32 $1.500000000e+00, v4  }
0x14e: {  	[tilespmem:s0+$0x60] =	vst v3;
	v9 =	vmul.f32 v12, v9;
	v11 =	vmul.f32 v12, v17  }
0x14f: {  	[tilespmem:s0+$0x20] =	vst v14;
	v0 =	vmul.f32 v4, v5;
	v4 =	vmul.f32 v8, v6  }
0x150: {  	[tilespmem:s0+$0xFFFFFFB0] =	vst v9;
	v7 =	vmul.f32 v12, v10  }
0x151: {  	[tilespmem:s0+$0xFFFFFFE0] =	vst v11;
	v1 =	vmul.f32 v0, v35;
	v2 =	vsub.f32 $1.500000000e+00, v4  }
0x152: {  	[tilespmem:s0+$0xFFFFFFF0] =	vst v7;
	v3 =	vmul.f32 v0, v15  }
0x153: {  	[tilespmem:s11+$0x70] =	vst v1;
	v1 =	vmul.f32 v0, v16;
	v2 =	vmul.f32 v2, v6  }
0x154: {  	[tilespmem:s11+$0x0] =	vst v3;
	v3 =	vmul.f32 v0, v21  }
0x155: {  	[tilespmem:s11+$0x10] =	vst v1;
	v1 =	vmul.f32 v2, v26  }
0x156: {  	v4 =	vmul.f32 v2, v13;
	[tilespmem:s11+$0x20] =	vst v3  }
0x157: {  	v3 =	vmul.f32 v2, v28;
	[tilespmem:s11+$0xFFFFFF80] =	vst v1  }
0x158: {  	v1 =	vmul.f32 v2, v29;
	[tilespmem:s11+$0xFFFFFF90] =	vst v4  }
0x159: {  	v4 =	vmul.f32 v2, v32;
	[tilespmem:s11+$0xFFFFFFA0] =	vst v3  }
0x15a: {  	v3 =	vmul.f32 v2, v36;
	[tilespmem:s11+$0xFFFFFFB0] =	vst v1  }
0x15b: {  	v1 =	vmul.f32 v2, v34;
	[tilespmem:s11+$0xFFFFFFC0] =	vst v4  }
0x15c: {  	v2 =	vmul.f32 v2, v31;
	[tilespmem:s11+$0xFFFFFFD0] =	vst v3  }
0x15d: {  	v3 =	vmul.f32 v0, v20;
	[tilespmem:s11+$0xFFFFFFE0] =	vst v1  }
0x15e: {  	s0 =	smul.u32 $0x14000, s31;
	v1 =	vmul.f32 v0, v22;
	[tilespmem:s11+$0xFFFFFFF0] =	vst v2  }
0x15f: {  	v2 =	vmul.f32 v0, v24;
	[tilespmem:s11+$0x30] =	vst v3  }
0x160: {  	s26 =	sadd.s32 s7, s0;
	v0 =	vmul.f32 v0, v30;
	[tilespmem:s11+$0x40] =	vst v1  }
0x161: {  	s6 =	sshrl.u32 s26, $0x3;
	[tilespmem:s11+$0x50] =	vst v2  }
0x162: {  	s6 =	sadd.s32 s3, s6;
	[tilespmem:s11+$0x60] =	vst v0  }
0x163: {  	[hbm4b:s6+s4] =	stream.linear.scatter [tilespmem:s15], [sflag:$0x7], $0x4000, $0x38;
	[tilespmem:$0x1A400] =	vst v63  }
0x164: {  	s6 =	simm.s32 @!p0 $0xA  }
0x165: {  	_ =	swait.ge @!p0 [sflag:s6], $0x4000  }
0x166: {  	[sflag:s6] =	ssyncset.done @!p0 $0x0  }
0x167: {  	s12 =	sadd.s32 $0x200, s1;
	[sflag:s6] =	ssyncadd.s32 @!p0 $0xFFFFC000  }
0x168: {  	[tilespmem:s20], [sflag:$0x5] =	stream.indirect.gather [hbm4b:s2+s13], $0x80, s12, s13, $0xb8;
	[tilespmem:$0x1A400] =	vst v63  }
0x169: {  	_ =	swait.ge [sflag:s21], $0x4000  }
0x16a: {  	[sflag:s21] =	ssyncset.done $0x0  }
0x16b: {  	s11 =	simm.s32 $0xE480;
	[sflag:s21] =	ssyncadd.s32 $0xFFFFC000  }
0x16c: {  	v47 =	vld [tilespmem:s11+$0x0]  }
0x16d: {  	v44 =	vld [tilespmem:s11+$0x10]  }
0x16e: {  	v39 =	vld [tilespmem:s11+$0xFFFFFF90]  }
0x16f: {  	v45 =	vld [tilespmem:s11+$0x20]  }
0x170: {  	v40 =	vld [tilespmem:s11+$0xFFFFFF80]  }
0x171: {  	v42 =	vld [tilespmem:s11+$0x30]  }
0x172: {  	v38 =	vld [tilespmem:s11+$0xFFFFFFA0];
	v0 =	vmul.f32 v47, v47;
	v1 =	vmul.f32 v44, v44  }
0x173: {  	v43 =	vld [tilespmem:s11+$0x40]  }
0x174: {  	v18 =	vld [tilespmem:s11+$0xFFFFFFB0];
	v0 =	vadd.f32 v1, v0;
	v1 =	vmul.f32 v45, v45  }
0x175: {  	v46 =	vld [tilespmem:s11+$0x50];
	v2 =	vmul.f32 v39, v39;
	v3 =	vmul.f32 v40, v40  }
0x176: {  	v24 =	vld [tilespmem:s11+$0xFFFFFFC0];
	v0 =	vadd.f32 v1, v0;
	v1 =	vmul.f32 v42, v42  }
0x177: {  	v6 =	vld [tilespmem:s11+$0x60];
	v2 =	vadd.f32 v2, v3;
	v3 =	vmul.f32 v38, v38  }
0x178: {  	v27 =	vld [tilespmem:s11+$0xFFFFFFD0];
	v0 =	vadd.f32 v1, v0;
	v1 =	vmul.f32 v43, v43  }
0x179: {  	v48 =	vld [tilespmem:s11+$0x70];
	v2 =	vadd.f32 v3, v2;
	v3 =	vmul.f32 v18, v18  }
0x17a: {  	v0 =	vadd.f32 v1, v0;
	v1 =	vmul.f32 v46, v46  }
0x17b: {  	v33 =	vld [tilespmem:s11+$0xFFFFFFE0];
	v2 =	vadd.f32 v3, v2;
	v3 =	vmul.f32 v24, v24  }
0x17c: {  	v0 =	vadd.f32 v1, v0;
	v1 =	vmul.f32 v6, v6  }
0x17d: {  	v37 =	vld [tilespmem:s11+$0xFFFFFFF0];
	v2 =	vadd.f32 v3, v2  }
0x17e: {  	v3 =	vmul.f32 v27, v27;
	v0 =	vadd.f32 v1, v0;
	v1 =	vmul.f32 v48, v48;
	_ =	sdelay $0x1  }
0x17f: {  	v2 =	vadd.f32 v3, v2;
	v3 =	vmul.f32 v33, v33;
	v0 =	vadd.f32 v1, v0;
	_ =	sdelay $0x1  }
0x180: {  	v2 =	vadd.f32 v3, v2;
	v1 =	vmul.f32 v37, v37;
	(xrf2) =	vadd.scan.msk.f32 $0xffff, v0  }
0x181: {  	s6 =	simm.s32 $0xE580  }
0x182: {  	v14 =	vld [tilespmem:s6+$0x0];
	v0 =	vadd.f32 v1, v2  }
0x183: {  	v12 =	vld [tilespmem:s6+$0x10]  }
0x184: {  	(xrf2) =	vadd.scan.msk.f32 $0xffff, v0  }
0x185: {  	v19 =	vld [tilespmem:s6+$0x20]  }
0x186: {  	v4 =	vld [tilespmem:s6+$0xFFFFFF90]  }
0x187: {  	v0 =	vld [tilespmem:s6+$0x30]  }
0x188: {  	v5 =	vld [tilespmem:s6+$0xFFFFFF80];
	v3 =	vmul.f32 v12, v12;
	v1 =	vmul.f32 v14, v14  }
0x189: {  	v2 =	vld [tilespmem:s6+$0x40]  }
0x18a: {  	v7 =	vld [tilespmem:s6+$0xFFFFFFA0];
	v10 =	vmul.f32 v19, v19;
	v3 =	vadd.f32 v3, v1;
	v8, _, _ =	vpop (xrf2)  }
0x18b: {  	v1 =	vld [tilespmem:s6+$0x50];
	(v2sf) =	vpush v8, $0xF  }
0x18c: {  	v9 =	vld [tilespmem:s6+$0xFFFFFFB0];
	v10 =	vadd.f32 v10, v3;
	v16 =	vmul.f32 v0, v0  }
0x18d: {  	v11 =	vmul.f32 v4, v4;
	v13 =	vmul.f32 v5, v5;
	v3 =	vld [tilespmem:s6+$0x60]  }
0x18e: {  	v10 =	vadd.f32 v16, v10;
	v16 =	vmul.f32 v2, v2;
	v8 =	vld [tilespmem:s6+$0xFFFFFFC0];
	v15, _, _ =	vpop (xrf2)  }
0x18f: {  	v23 =	vld [tilespmem:s6+$0x70];
	v13 =	vadd.f32 v11, v13;
	(v2sf) =	vpush v15, $0xF;
	v15 =	vmul.f32 v7, v7  }
0x190: {  	v11 =	vld [tilespmem:s6+$0xFFFFFFD0];
	v20 =	vmul.f32 v1, v1;
	v16 =	vadd.f32 v16, v10  }
0x191: {  	v13 =	vadd.f32 v15, v13;
	v15 =	vmul.f32 v9, v9  }
0x192: {  	v17 =	vld [tilespmem:s6+$0xFFFFFFE0];
	v16 =	vadd.f32 v20, v16;
	v20 =	vmul.f32 v3, v3  }
0x193: {  	v13 =	vadd.f32 v15, v13;
	v15 =	vmul.f32 v8, v8  }
0x194: {  	v10 =	vld [tilespmem:s6+$0xFFFFFFF0];
	v16 =	vadd.f32 v20, v16  }
0x195: {  	v20 =	vmul.f32 v23, v23;
	v13 =	vadd.f32 v15, v13;
	v15 =	vmul.f32 v11, v11;
	_ =	sdelay $0x1  }
0x196: {  	v16 =	vadd.f32 v20, v16;
	v13 =	vadd.f32 v15, v13;
	v15 =	vmul.f32 v17, v17;
	_ =	sdelay $0x1  }
0x197: {  	v20 =	vmul.f32 v10, v10;
	(xrf2) =	vadd.scan.msk.f32 $0xffff, v16;
	v13 =	vadd.f32 v15, v13  }
0x198: {  	s26 =	spop (v2sf)  }
0x199: {  	v13 =	vadd.f32 v20, v13;
	s12 =	smax.f32 s26, $1.000000020e-24  }
0x19a: {  	v15 =	vmov s12;
	s12 =	simm.s32 $0xE680  }
0x19b: {  	(xrf2) =	vadd.scan.msk.f32 $0xffff, v13;
	v13 =	vshra.s32 v15, $0x1;
	v30 =	vmul.f32 $5.000000000e-01, v15;
	v15 =	vld [tilespmem:s12+$0x0]  }
0x19c: {  	v16 =	vld [tilespmem:s12+$0x10]  }
0x19d: {  	s26 =	spop (v2sf);
	v26 =	vld [tilespmem:s12+$0xFFFFFF80]  }
0x19e: {  	s26 =	smax.f32 s26, $1.000000020e-24;
	v32 =	vld [tilespmem:s12+$0xFFFFFFC0];
	v25 =	vsub.s32 $0x5F3759DF, v13  }
0x19f: {  	v21 =	vmov s26;
	v13 =	vld [tilespmem:s12+$0xFFFFFF90];
	v20 =	vmul.f32 v25, v30  }
0x1a0: {  	v22 =	vshra.s32 v21, $0x1;
	v49 =	vmul.f32 $5.000000000e-01, v21;
	v21 =	vld [tilespmem:s12+$0x20]  }
0x1a1: {  	v59, _, _ =	vpop (xrf2);
	v31 =	vsub.s32 $0x5F3759DF, v22;
	v22 =	vld [tilespmem:s12+$0x40];
	v28 =	vmul.f32 v25, v20  }
0x1a2: {  	(v2sf) =	vpush v59, $0xF;
	v56 =	vmul.f32 v31, v49;
	v20 =	vld [tilespmem:s12+$0x30]  }
0x1a3: {  	v57 =	vmul.f32 v15, v15;
	v58 =	vmul.f32 v16, v16;
	v29 =	vsub.f32 $1.500000000e+00, v28;
	v28 =	vld [tilespmem:s12+$0xFFFFFFA0]  }
0x1a4: {  	v36 =	vld [tilespmem:s12+$0xFFFFFFD0];
	v63 =	vmul.f32 v26, v26;
	v62 =	vmul.f32 v31, v56  }
0x1a5: {  	v34 =	vadd.f32 v58, v57;
	v61 =	vmul.f32 v21, v21;
	v50 =	vmul.f32 v25, v29;
	v29 =	vld [tilespmem:s12+$0xFFFFFFB0]  }
0x1a6: {  	v60 =	vmul.f32 v13, v13;
	v25 =	vld [tilespmem:s12+$0x50];
	v56, _, _ =	vpop (xrf2);
	v55 =	vmul.f32 v22, v22;
	v51 =	vsub.f32 $1.500000000e+00, v62  }
0x1a7: {  	v35 =	vld [tilespmem:s12+$0x70];
	v34 =	vadd.f32 v61, v34;
	v57 =	vmul.f32 v20, v20;
	(v2sf) =	vpush v56, $0xF  }
0x1a8: {  	v41 =	vadd.f32 v60, v63;
	v53 =	vmul.f32 v50, v30;
	v30 =	vld [tilespmem:s12+$0x60];
	v58 =	vmul.f32 v28, v28  }
0x1a9: {  	v63 =	vmul.f32 v36, v36;
	v51 =	vmul.f32 v31, v51;
	v31 =	vld [tilespmem:s12+$0xFFFFFFF0];
	v54 =	vadd.f32 v57, v34  }
0x1aa: {  	v34 =	vld [tilespmem:s12+$0xFFFFFFE0];
	v53 =	vmul.f32 v53, v50;
	v41 =	vadd.f32 v58, v41;
	v59 =	vmul.f32 v29, v29  }
0x1ab: {  	v56 =	vmul.f32 v32, v32;
	v54 =	vadd.f32 v55, v54;
	v60 =	vmul.f32 v25, v25  }
0x1ac: {  	v49 =	vmul.f32 v51, v49;
	v53 =	vsub.f32 $1.500000000e+00, v53;
	v52 =	vadd.f32 v59, v41  }
0x1ad: {  	v57 =	vmul.f32 v35, v35;
	v61 =	vadd.f32 v60, v54;
	v62 =	vmul.f32 v30, v30  }
0x1ae: {  	v49 =	vmul.f32 v49, v51;
	v41 =	vmul.f32 v53, v50;
	v52 =	vadd.f32 v56, v52  }
0x1af: {  	v59 =	vmul.f32 v31, v31;
	v58 =	vmul.f32 v34, v34;
	v50 =	vadd.f32 v62, v61  }
0x1b0: {  	v49 =	vsub.f32 $1.500000000e+00, v49;
	v48 =	vmul.f32 v41, v48;
	v52 =	vadd.f32 v63, v52  }
0x1b1: {  	v47 =	vmul.f32 v41, v47;
	v61 =	vmul.f32 v41, v44;
	v50 =	vadd.f32 v57, v50  }
0x1b2: {  	s26 =	spop (v2sf);
	v45 =	vmul.f32 v41, v45;
	v44 =	vmul.f32 v41, v42;
	[tilespmem:s11+$0x70] =	vst v48;
	v60 =	vadd.f32 v58, v52  }
0x1b3: {  	s26 =	smax.f32 s26, $1.000000020e-24;
	v43 =	vmul.f32 v41, v43;
	[tilespmem:s11+$0x0] =	vst v47;
	(xrf2) =	vadd.scan.msk.f32 $0xffff, v50;
	v50 =	vmul.f32 v49, v51  }
0x1b4: {  	v42 =	vmul.f32 v41, v46;
	v63 =	vmov s26;
	[tilespmem:s11+$0x10] =	vst v61;
	v62 =	vadd.f32 v59, v60  }
0x1b5: {  	[tilespmem:s11+$0x20] =	vst v45;
	v51 =	vmul.f32 $5.000000000e-01, v63;
	v40 =	vmul.f32 v50, v40  }
0x1b6: {  	s28 =	simm.s32 $0xE780;
	s26 =	simm.s32 $0x4;
	v45 =	vshra.s32 v63, $0x1;
	v49 =	vmul.f32 v50, v39;
	v52 =	vmul.f32 v50, v38;
	s29 =	spop (v2sf);
	(xrf2) =	vadd.scan.msk.f32 $0xffff, v62  }
.LBB2_7:
0x1b7: {  	v53 =	vsub.s32 $0x5F3759DF, v45;
	v54 =	vmul.f32 v50, v18;
	v24 =	vmul.f32 v50, v24;
	v38 =	vmovc v21  }
0x1b8: {  	v47 =	vld [tilespmem:s28+$0x0];
	s29 =	smax.f32 s29, $1.000000020e-24;
	[tilespmem:s11+$0xFFFFFF80] =	vst v40;
	v40 =	vmovc v5;
	v5 =	vmovc v26;
	v46 =	vmov v0;
	v0 =	vmov v20;
	v39 =	vmov v7  }
0x1b9: {  	s26 =	sadd.s32 $0x2, s26;
	v27 =	vmul.f32 v50, v27;
	v7 =	vmovc v28;
	v48 =	vld [tilespmem:s28+$0x10];
	v21 =	vmov s29;
	v20 =	vmul.f32 v53, v51;
	[tilespmem:s11+$0xFFFFFF90] =	vst v49;
	v49 =	vmovc v2  }
0x1ba: {  	v33 =	vmul.f32 v50, v33;
	v18 =	vmovc v9;
	p0 =	slt.u32 s26, $0x7E;
	v2 =	vmovc v22;
	v45 =	vld [tilespmem:s28+$0xFFFFFF90];
	v26 =	vshra.s32 v21, $0x1;
	v55 =	vmul.f32 $5.000000000e-01, v21;
	[tilespmem:s11+$0xFFFFFFA0] =	vst v52  }
0x1bb: {  	v37 =	vmul.f32 v50, v37;
	v9 =	vmovc v29;
	v21 =	vld [tilespmem:s28+$0x20];
	v52 =	vsub.s32 $0x5F3759DF, v26;
	v22 =	vmul.f32 v53, v20;
	[tilespmem:s11+$0xFFFFFFB0] =	vst v54  }
0x1bc: {  	v41 =	vmul.f32 v41, v6;
	v26 =	vld [tilespmem:s28+$0xFFFFFF80];
	v50 =	vmul.f32 v52, v55;
	[tilespmem:s11+$0xFFFFFFC0] =	vst v24;
	v54 =	vmovc v1;
	v1 =	vmov v25  }
0x1bd: {  	v6 =	vmovc v3;
	v3 =	vmovc v30;
	v24 =	vmov v8;
	v8 =	vmov v32;
	v20 =	vld [tilespmem:s28+$0x30];
	v25 =	vsub.f32 $1.500000000e+00, v22;
	[tilespmem:s11+$0xFFFFFFD0] =	vst v27  }
0x1be: {  	v30 =	vmul.f32 v47, v47;
	v27 =	vmov v11;
	v28 =	vld [tilespmem:s28+$0xFFFFFFA0];
	v32 =	vmul.f32 v48, v48;
	v29, _, _ =	vpop (xrf2);
	[tilespmem:s11+$0xFFFFFFE0] =	vst v33  }
0x1bf: {  	v11 =	vmovc v36;
	v56 =	vmul.f32 v45, v45;
	v22 =	vld [tilespmem:s28+$0x40];
	(v2sf) =	vpush v29, $0xF;
	v53 =	vmul.f32 v53, v25;
	[tilespmem:s11+$0xFFFFFFF0] =	vst v37  }
0x1c0: {  	v37 =	vmul.f32 v52, v50;
	v29 =	vld [tilespmem:s28+$0xFFFFFFB0];
	v30 =	vadd.f32 v32, v30;
	v36 =	vmul.f32 v21, v21;
	[tilespmem:s11+$0x30] =	vst v44  }
0x1c1: {  	v33 =	vmov v17;
	v44 =	vmul.f32 v26, v26;
	v25 =	vld [tilespmem:s28+$0x50];
	v50, _, _ =	vpop (xrf2);
	v51 =	vmul.f32 v53, v51;
	[tilespmem:s11+$0x40] =	vst v43  }
0x1c2: {  	v17 =	vmovc v34;
	v32 =	vld [tilespmem:s28+$0xFFFFFFC0];
	v43 =	vadd.f32 v36, v30;
	v57 =	vmul.f32 v20, v20;
	(v2sf) =	vpush v50, $0xF;
	[tilespmem:s11+$0x50] =	vst v42  }
0x1c3: {  	v34 =	vadd.f32 v56, v44;
	v42 =	vmul.f32 v28, v28;
	v30 =	vld [tilespmem:s28+$0x60];
	v44 =	vmul.f32 v51, v53;
	[tilespmem:s11+$0x60] =	vst v41;
	s11 =	smov.u32 s6;
	s6 =	smov.u32 s12;
	s12 =	smov.u32 s28  }
0x1c4: {  	v50 =	vsub.f32 $1.500000000e+00, v37;
	v37 =	vmovc v10;
	v10 =	vmovc v31;
	v36 =	vld [tilespmem:s28+$0xFFFFFFD0];
	v41 =	vadd.f32 v57, v43;
	v43 =	vmul.f32 v22, v22  }
0x1c5: {  	v31 =	vadd.f32 v42, v34;
	v42 =	vmul.f32 v29, v29;
	v51 =	vld [tilespmem:s28+$0x70];
	v44 =	vsub.f32 $1.500000000e+00, v44  }
0x1c6: {  	v50 =	vmul.f32 v52, v50;
	v34 =	vld [tilespmem:s28+$0xFFFFFFE0];
	v43 =	vadd.f32 v43, v41;
	v56 =	vmul.f32 v25, v25  }
0x1c7: {  	v42 =	vadd.f32 v42, v31;
	v52 =	vmul.f32 v32, v32;
	v31 =	vld [tilespmem:s28+$0xFFFFFFF0];
	v41 =	vmul.f32 v44, v53  }
0x1c8: {  	v53 =	vmul.f32 v50, v55;
	v43 =	vadd.f32 v56, v43;
	v44 =	vmul.f32 v30, v30  }
0x1c9: {  	v42 =	vadd.f32 v52, v42;
	v52 =	vmul.f32 v36, v36;
	v55 =	vmul.f32 v41, v23;
	v23 =	vmovc v35  }
0x1ca: {  	v53 =	vmul.f32 v53, v50;
	v43 =	vadd.f32 v44, v43;
	v44 =	vmul.f32 v51, v51;
	v35 =	vmovc v51  }
0x1cb: {  	v42 =	vadd.f32 v52, v42;
	v51 =	vmul.f32 v34, v34;
	v52 =	vmul.f32 v41, v14;
	[tilespmem:s11+$0x70] =	vst v55  }
0x1cc: {  	v14 =	vmovc v15;
	v15 =	vmovc v47;
	v55 =	vmul.f32 v31, v31;
	v43 =	vadd.f32 v44, v43;
	v44 =	vsub.f32 $1.500000000e+00, v53  }
.Ltmp2:
0x1cd: {  	v19 =	vmul.f32 v41, v19;
	v47 =	vmul.f32 v41, v12;
	v42 =	vadd.f32 v51, v42;
	[tilespmem:s11+$0x0] =	vst v52;
	(pc) =	sbr.rel @p0 .LBB2_7-.Ltmp2, $4  }
0x1ce: {  	v12 =	vmovc v16;
	v16 =	vmov v48;
	(xrf2) =	vadd.scan.msk.f32 $0xffff, v43;
	s29 =	spop (v2sf);
	v50 =	vmul.f32 v44, v50;
	v44 =	vmul.f32 v41, v46  }
0x1cf: {  	v43 =	vmul.f32 v41, v49;
	v46 =	vadd.f32 v55, v42;
	s29 =	smax.f32 s29, $1.000000020e-24;
	[tilespmem:s11+$0x10] =	vst v47;
	v42 =	vmul.f32 v41, v54  }
0x1d0: {  	v47 =	vmov s29;
	v40 =	vmul.f32 v50, v40;
	v49 =	vmul.f32 v50, v4;
	[tilespmem:s11+$0x20] =	vst v19;
	v4 =	vmovc v13;
	v13 =	vmovc v45  }
0x1d1: {  	s28 =	sadd.s32 $0x100, s28;
	v52 =	vmul.f32 v50, v39;
	v19 =	vmovc v38;
	(xrf2) =	vadd.scan.msk.f32 $0xffff, v46;
	v45 =	vshra.s32 v47, $0x1;
	v51 =	vmul.f32 $5.000000000e-01, v47;
	s29 =	spop (v2sf)  }
0x1d2: {  	_ =	sdelay $0x5  }
0x1d3: {  	v38, _, _ =	vpop (xrf2)  }
0x1d4: {  	(v2sf) =	vpush v38, $0xF;
	_ =	sdelay $0x1  }
0x1d5: {  	v61 =	vsub.s32 $0x5F3759DF, v45  }
0x1d6: {  	s26 =	smax.f32 s29, $1.000000020e-24;
	v39 =	vmul.f32 v61, v51;
	v62, _, _ =	vpop (xrf2)  }
0x1d7: {  	v46 =	vmov s26;
	(v2sf) =	vpush v62, $0xF  }
0x1d8: {  	v63 =	vshra.s32 v46, $0x1;
	v46 =	vmul.f32 $5.000000000e-01, v46;
	v39 =	vmul.f32 v61, v39  }
0x1d9: {  	v45 =	vsub.s32 $0x5F3759DF, v63  }
0x1da: {  	v47 =	vmul.f32 v45, v46;
	v39 =	vsub.f32 $1.500000000e+00, v39;
	_ =	sdelay $0x1  }
0x1db: {  	v48 =	vmul.f32 v45, v47;
	v38 =	vmul.f32 v61, v39  }
0x1dc: {  	[tilespmem:s11+$0xFFFFFF80] =	vst v40  }
0x1dd: {  	v18 =	vmul.f32 v50, v18;
	[tilespmem:s11+$0xFFFFFF90] =	vst v49;
	v39 =	vsub.f32 $1.500000000e+00, v48;
	v53 =	vmul.f32 v38, v51  }
0x1de: {  	v24 =	vmul.f32 v50, v24;
	v27 =	vmul.f32 v50, v27;
	[tilespmem:s11+$0x30] =	vst v44  }
0x1df: {  	[tilespmem:s11+$0xFFFFFFB0] =	vst v18;
	v39 =	vmul.f32 v45, v39;
	v18 =	vmul.f32 v53, v38  }
0x1e0: {  	[tilespmem:s11+$0xFFFFFFC0] =	vst v24  }
0x1e1: {  	v24 =	vmul.f32 v50, v37;
	[tilespmem:s11+$0xFFFFFFD0] =	vst v27;
	v27 =	vmul.f32 v39, v46;
	v18 =	vsub.f32 $1.500000000e+00, v18;
	s26 =	spop (v2sf)  }
0x1e2: {  	v33 =	vmul.f32 v50, v33;
	[tilespmem:s11+$0x40] =	vst v43;
	s26 =	smax.f32 s26, $1.000000020e-24  }
0x1e3: {  	[tilespmem:s11+$0xFFFFFFF0] =	vst v24;
	v24 =	vmul.f32 v27, v39;
	v18 =	vmul.f32 v18, v38;
	v27 =	vmov s26  }
0x1e4: {  	v6 =	vmul.f32 v41, v6;
	[tilespmem:s11+$0x50] =	vst v42;
	v54 =	vshra.s32 v27, $0x1;
	v27 =	vmul.f32 $5.000000000e-01, v27  }
0x1e5: {  	[tilespmem:s11+$0xFFFFFFE0] =	vst v33;
	v24 =	vsub.f32 $1.500000000e+00, v24;
	v23 =	vmul.f32 v18, v23;
	s26 =	spop (v2sf);
	v33 =	vsub.s32 $0x5F3759DF, v54  }
0x1e6: {  	[tilespmem:s11+$0xFFFFFFA0] =	vst v52;
	v14 =	vmul.f32 v18, v14;
	s26 =	smax.f32 s26, $1.000000020e-24;
	v55 =	vmul.f32 v33, v27  }
0x1e7: {  	[tilespmem:s11+$0x60] =	vst v6;
	v6 =	vmul.f32 v18, v12;
	v12 =	vmul.f32 v24, v39;
	v24 =	vmov s26  }
0x1e8: {  	[tilespmem:s6+$0x70] =	vst v23;
	v23 =	vshra.s32 v24, $0x1;
	v24 =	vmul.f32 $5.000000000e-01, v24;
	v37 =	vmul.f32 v33, v55  }
0x1e9: {  	v0 =	vmul.f32 v18, v0;
	[tilespmem:s6+$0x0] =	vst v14;
	v14 =	vmul.f32 v18, v19;
	v19 =	vsub.s32 $0x5F3759DF, v23  }
0x1ea: {  	[tilespmem:s6+$0x10] =	vst v6;
	v5 =	vmul.f32 v12, v5;
	v6 =	vmul.f32 v19, v24;
	v23 =	vsub.f32 $1.500000000e+00, v37  }
0x1eb: {  	[tilespmem:s6+$0x30] =	vst v0;
	v4 =	vmul.f32 v12, v4;
	v7 =	vmul.f32 v12, v7  }
0x1ec: {  	[tilespmem:s6+$0xFFFFFF80] =	vst v5;
	v6 =	vmul.f32 v19, v6;
	v5 =	vmul.f32 v33, v23  }
0x1ed: {  	v2 =	vmul.f32 v18, v2;
	[tilespmem:s6+$0xFFFFFF90] =	vst v4  }
0x1ee: {  	v4 =	vmul.f32 v12, v8;
	[tilespmem:s6+$0xFFFFFFA0] =	vst v7;
	v6 =	vsub.f32 $1.500000000e+00, v6;
	v7 =	vmul.f32 v5, v27  }
0x1ef: {  	v1 =	vmul.f32 v18, v1;
	[tilespmem:s6+$0x40] =	vst v2;
	v8 =	vmul.f32 v12, v11  }
0x1f0: {  	[tilespmem:s6+$0xFFFFFFC0] =	vst v4;
	v6 =	vmul.f32 v19, v6;
	v4 =	vmul.f32 v7, v5  }
0x1f1: {  	v3 =	vmul.f32 v18, v3;
	[tilespmem:s6+$0x50] =	vst v1  }
0x1f2: {  	[tilespmem:s6+$0xFFFFFFD0] =	vst v8;
	v8 =	vmul.f32 v6, v24;
	v4 =	vsub.f32 $1.500000000e+00, v4  }
0x1f3: {  	[tilespmem:s6+$0x60] =	vst v3;
	v9 =	vmul.f32 v12, v9;
	v11 =	vmul.f32 v12, v17  }
0x1f4: {  	[tilespmem:s6+$0x20] =	vst v14;
	v0 =	vmul.f32 v4, v5;
	v4 =	vmul.f32 v8, v6  }
0x1f5: {  	[tilespmem:s6+$0xFFFFFFB0] =	vst v9;
	v7 =	vmul.f32 v12, v10  }
0x1f6: {  	[tilespmem:s6+$0xFFFFFFE0] =	vst v11;
	v1 =	vmul.f32 v0, v35;
	v2 =	vsub.f32 $1.500000000e+00, v4  }
0x1f7: {  	[tilespmem:s6+$0xFFFFFFF0] =	vst v7;
	v3 =	vmul.f32 v0, v15  }
0x1f8: {  	[tilespmem:s12+$0x70] =	vst v1;
	v1 =	vmul.f32 v0, v16;
	v2 =	vmul.f32 v2, v6  }
0x1f9: {  	[tilespmem:s12+$0x0] =	vst v3;
	v3 =	vmul.f32 v0, v21  }
0x1fa: {  	[tilespmem:s12+$0x10] =	vst v1;
	v1 =	vmul.f32 v2, v26  }
0x1fb: {  	v4 =	vmul.f32 v2, v13;
	[tilespmem:s12+$0x20] =	vst v3  }
0x1fc: {  	v3 =	vmul.f32 v2, v28;
	[tilespmem:s12+$0xFFFFFF80] =	vst v1  }
0x1fd: {  	v1 =	vmul.f32 v2, v29;
	[tilespmem:s12+$0xFFFFFF90] =	vst v4  }
0x1fe: {  	v4 =	vmul.f32 v2, v32;
	[tilespmem:s12+$0xFFFFFFA0] =	vst v3  }
0x1ff: {  	v3 =	vmul.f32 v2, v36;
	[tilespmem:s12+$0xFFFFFFB0] =	vst v1  }
0x200: {  	v1 =	vmul.f32 v2, v34;
	[tilespmem:s12+$0xFFFFFFC0] =	vst v4  }
0x201: {  	v2 =	vmul.f32 v2, v31;
	[tilespmem:s12+$0xFFFFFFD0] =	vst v3  }
0x202: {  	v3 =	vmul.f32 v0, v20;
	[tilespmem:s12+$0xFFFFFFE0] =	vst v1  }
0x203: {  	v1 =	vmul.f32 v0, v22;
	[tilespmem:s12+$0xFFFFFFF0] =	vst v2  }
0x204: {  	v2 =	vmul.f32 v0, v25;
	[tilespmem:s12+$0x30] =	vst v3  }
0x205: {  	s11 =	sadd.s32 s8, s0;
	v0 =	vmul.f32 v0, v30;
	[tilespmem:s12+$0x40] =	vst v1  }
0x206: {  	s6 =	sshrl.u32 s11, $0x3;
	[tilespmem:s12+$0x50] =	vst v2  }
0x207: {  	s6 =	sadd.s32 s3, s6;
	[tilespmem:s12+$0x60] =	vst v0  }
0x208: {  	[hbm4b:s6+s4] =	stream.linear.scatter [tilespmem:s16], [sflag:$0x8], $0x4000, $0x38;
	[tilespmem:$0x1A400] =	vst v63  }
0x209: {  	p0 =	seq.s32 s31, $0x27;
	_ =	swait.ge [sflag:s22], $0x4000  }
0x20a: {  	s11 =	simm.s32 @!p0 $0x80;
	[sflag:s22] =	ssyncset.done $0x0  }
0x20b: {  	s12 =	simm.s32 @!p0 $0x6400;
	s6 =	sadd.s32 @!p0 $0x280, s1;
	[sflag:s22] =	ssyncadd.s32 $0xFFFFC000  }
0x20c: {  	[tilespmem:s12], [sflag:$0x1] =	stream.indirect.gather @!p0 [hbm4b:s2+s11], $0x80, s6, s11, $0xb8;
	[tilespmem:$0x1A400] =	vst v63  }
0x20d: {  	_ =	swait.ge [sflag:s23], $0x4000  }
0x20e: {  	[sflag:s23] =	ssyncset.done $0x0  }
0x20f: {  	s11 =	simm.s32 $0x12480;
	[sflag:s23] =	ssyncadd.s32 $0xFFFFC000  }
0x210: {  	v47 =	vld [tilespmem:s11+$0x0]  }
0x211: {  	v44 =	vld [tilespmem:s11+$0x10]  }
0x212: {  	v39 =	vld [tilespmem:s11+$0xFFFFFF90]  }
0x213: {  	v45 =	vld [tilespmem:s11+$0x20]  }
0x214: {  	v40 =	vld [tilespmem:s11+$0xFFFFFF80]  }
0x215: {  	v42 =	vld [tilespmem:s11+$0x30]  }
0x216: {  	v38 =	vld [tilespmem:s11+$0xFFFFFFA0];
	v0 =	vmul.f32 v47, v47;
	v1 =	vmul.f32 v44, v44  }
0x217: {  	v43 =	vld [tilespmem:s11+$0x40]  }
0x218: {  	v18 =	vld [tilespmem:s11+$0xFFFFFFB0];
	v0 =	vadd.f32 v1, v0;
	v1 =	vmul.f32 v45, v45  }
0x219: {  	v46 =	vld [tilespmem:s11+$0x50];
	v2 =	vmul.f32 v39, v39;
	v3 =	vmul.f32 v40, v40  }
0x21a: {  	v24 =	vld [tilespmem:s11+$0xFFFFFFC0];
	v0 =	vadd.f32 v1, v0;
	v1 =	vmul.f32 v42, v42  }
0x21b: {  	v6 =	vld [tilespmem:s11+$0x60];
	v2 =	vadd.f32 v2, v3;
	v3 =	vmul.f32 v38, v38  }
0x21c: {  	v27 =	vld [tilespmem:s11+$0xFFFFFFD0];
	v0 =	vadd.f32 v1, v0;
	v1 =	vmul.f32 v43, v43  }
0x21d: {  	v48 =	vld [tilespmem:s11+$0x70];
	v2 =	vadd.f32 v3, v2;
	v3 =	vmul.f32 v18, v18  }
0x21e: {  	v0 =	vadd.f32 v1, v0;
	v1 =	vmul.f32 v46, v46  }
0x21f: {  	v33 =	vld [tilespmem:s11+$0xFFFFFFE0];
	v2 =	vadd.f32 v3, v2;
	v3 =	vmul.f32 v24, v24  }
0x220: {  	v0 =	vadd.f32 v1, v0;
	v1 =	vmul.f32 v6, v6  }
0x221: {  	v37 =	vld [tilespmem:s11+$0xFFFFFFF0];
	v2 =	vadd.f32 v3, v2  }
0x222: {  	v3 =	vmul.f32 v27, v27;
	v0 =	vadd.f32 v1, v0;
	v1 =	vmul.f32 v48, v48;
	_ =	sdelay $0x1  }
0x223: {  	v2 =	vadd.f32 v3, v2;
	v3 =	vmul.f32 v33, v33;
	v0 =	vadd.f32 v1, v0;
	_ =	sdelay $0x1  }
0x224: {  	v2 =	vadd.f32 v3, v2;
	v1 =	vmul.f32 v37, v37;
	(xrf2) =	vadd.scan.msk.f32 $0xffff, v0  }
0x225: {  	s6 =	simm.s32 $0x12580  }
0x226: {  	v14 =	vld [tilespmem:s6+$0x0];
	v0 =	vadd.f32 v1, v2  }
0x227: {  	v12 =	vld [tilespmem:s6+$0x10]  }
0x228: {  	(xrf2) =	vadd.scan.msk.f32 $0xffff, v0  }
0x229: {  	v19 =	vld [tilespmem:s6+$0x20]  }
0x22a: {  	v4 =	vld [tilespmem:s6+$0xFFFFFF90]  }
0x22b: {  	v0 =	vld [tilespmem:s6+$0x30]  }
0x22c: {  	v5 =	vld [tilespmem:s6+$0xFFFFFF80];
	v3 =	vmul.f32 v12, v12;
	v1 =	vmul.f32 v14, v14  }
0x22d: {  	v2 =	vld [tilespmem:s6+$0x40]  }
0x22e: {  	v7 =	vld [tilespmem:s6+$0xFFFFFFA0];
	v10 =	vmul.f32 v19, v19;
	v3 =	vadd.f32 v3, v1;
	v8, _, _ =	vpop (xrf2)  }
0x22f: {  	v1 =	vld [tilespmem:s6+$0x50];
	(v2sf) =	vpush v8, $0xF  }
0x230: {  	v9 =	vld [tilespmem:s6+$0xFFFFFFB0];
	v10 =	vadd.f32 v10, v3;
	v16 =	vmul.f32 v0, v0  }
0x231: {  	v11 =	vmul.f32 v4, v4;
	v13 =	vmul.f32 v5, v5;
	v3 =	vld [tilespmem:s6+$0x60]  }
0x232: {  	v10 =	vadd.f32 v16, v10;
	v16 =	vmul.f32 v2, v2;
	v8 =	vld [tilespmem:s6+$0xFFFFFFC0];
	v15, _, _ =	vpop (xrf2)  }
0x233: {  	v23 =	vld [tilespmem:s6+$0x70];
	v13 =	vadd.f32 v11, v13;
	(v2sf) =	vpush v15, $0xF;
	v15 =	vmul.f32 v7, v7  }
0x234: {  	v11 =	vld [tilespmem:s6+$0xFFFFFFD0];
	v20 =	vmul.f32 v1, v1;
	v16 =	vadd.f32 v16, v10  }
0x235: {  	v13 =	vadd.f32 v15, v13;
	v15 =	vmul.f32 v9, v9  }
0x236: {  	v17 =	vld [tilespmem:s6+$0xFFFFFFE0];
	v16 =	vadd.f32 v20, v16;
	v20 =	vmul.f32 v3, v3  }
0x237: {  	v13 =	vadd.f32 v15, v13;
	v15 =	vmul.f32 v8, v8  }
0x238: {  	v10 =	vld [tilespmem:s6+$0xFFFFFFF0];
	v16 =	vadd.f32 v20, v16  }
0x239: {  	v20 =	vmul.f32 v23, v23;
	v13 =	vadd.f32 v15, v13;
	v15 =	vmul.f32 v11, v11;
	_ =	sdelay $0x1  }
0x23a: {  	v16 =	vadd.f32 v20, v16;
	v13 =	vadd.f32 v15, v13;
	v15 =	vmul.f32 v17, v17;
	_ =	sdelay $0x1  }
0x23b: {  	v20 =	vmul.f32 v10, v10;
	(xrf2) =	vadd.scan.msk.f32 $0xffff, v16;
	v13 =	vadd.f32 v15, v13  }
0x23c: {  	s26 =	spop (v2sf)  }
0x23d: {  	v13 =	vadd.f32 v20, v13;
	s12 =	smax.f32 s26, $1.000000020e-24  }
0x23e: {  	v15 =	vmov s12;
	s12 =	simm.s32 $0x12680  }
0x23f: {  	(xrf2) =	vadd.scan.msk.f32 $0xffff, v13;
	v13 =	vshra.s32 v15, $0x1;
	v30 =	vmul.f32 $5.000000000e-01, v15;
	v15 =	vld [tilespmem:s12+$0x0]  }
0x240: {  	v16 =	vld [tilespmem:s12+$0x10]  }
0x241: {  	s26 =	spop (v2sf);
	v26 =	vld [tilespmem:s12+$0xFFFFFF80]  }
0x242: {  	s26 =	smax.f32 s26, $1.000000020e-24;
	v32 =	vld [tilespmem:s12+$0xFFFFFFC0];
	v25 =	vsub.s32 $0x5F3759DF, v13  }
0x243: {  	v21 =	vmov s26;
	v13 =	vld [tilespmem:s12+$0xFFFFFF90];
	v20 =	vmul.f32 v25, v30  }
0x244: {  	v22 =	vshra.s32 v21, $0x1;
	v49 =	vmul.f32 $5.000000000e-01, v21;
	v21 =	vld [tilespmem:s12+$0x20]  }
0x245: {  	v59, _, _ =	vpop (xrf2);
	v31 =	vsub.s32 $0x5F3759DF, v22;
	v22 =	vld [tilespmem:s12+$0x40];
	v28 =	vmul.f32 v25, v20  }
0x246: {  	(v2sf) =	vpush v59, $0xF;
	v56 =	vmul.f32 v31, v49;
	v20 =	vld [tilespmem:s12+$0x30]  }
0x247: {  	v57 =	vmul.f32 v15, v15;
	v58 =	vmul.f32 v16, v16;
	v29 =	vsub.f32 $1.500000000e+00, v28;
	v28 =	vld [tilespmem:s12+$0xFFFFFFA0]  }
0x248: {  	v36 =	vld [tilespmem:s12+$0xFFFFFFD0];
	v63 =	vmul.f32 v26, v26;
	v62 =	vmul.f32 v31, v56  }
0x249: {  	v34 =	vadd.f32 v58, v57;
	v61 =	vmul.f32 v21, v21;
	v50 =	vmul.f32 v25, v29;
	v29 =	vld [tilespmem:s12+$0xFFFFFFB0]  }
0x24a: {  	v60 =	vmul.f32 v13, v13;
	v25 =	vld [tilespmem:s12+$0x50];
	v56, _, _ =	vpop (xrf2);
	v55 =	vmul.f32 v22, v22;
	v51 =	vsub.f32 $1.500000000e+00, v62  }
0x24b: {  	v35 =	vld [tilespmem:s12+$0x70];
	v34 =	vadd.f32 v61, v34;
	v57 =	vmul.f32 v20, v20;
	(v2sf) =	vpush v56, $0xF  }
0x24c: {  	v41 =	vadd.f32 v60, v63;
	v53 =	vmul.f32 v50, v30;
	v30 =	vld [tilespmem:s12+$0x60];
	v58 =	vmul.f32 v28, v28  }
0x24d: {  	v63 =	vmul.f32 v36, v36;
	v51 =	vmul.f32 v31, v51;
	v31 =	vld [tilespmem:s12+$0xFFFFFFF0];
	v54 =	vadd.f32 v57, v34  }
0x24e: {  	v34 =	vld [tilespmem:s12+$0xFFFFFFE0];
	v53 =	vmul.f32 v53, v50;
	v41 =	vadd.f32 v58, v41;
	v59 =	vmul.f32 v29, v29  }
0x24f: {  	v56 =	vmul.f32 v32, v32;
	v54 =	vadd.f32 v55, v54;
	v60 =	vmul.f32 v25, v25  }
0x250: {  	v49 =	vmul.f32 v51, v49;
	v53 =	vsub.f32 $1.500000000e+00, v53;
	v52 =	vadd.f32 v59, v41  }
0x251: {  	v57 =	vmul.f32 v35, v35;
	v61 =	vadd.f32 v60, v54;
	v62 =	vmul.f32 v30, v30  }
0x252: {  	v49 =	vmul.f32 v49, v51;
	v41 =	vmul.f32 v53, v50;
	v52 =	vadd.f32 v56, v52  }
0x253: {  	v59 =	vmul.f32 v31, v31;
	v58 =	vmul.f32 v34, v34;
	v50 =	vadd.f32 v62, v61  }
0x254: {  	v49 =	vsub.f32 $1.500000000e+00, v49;
	v48 =	vmul.f32 v41, v48;
	v52 =	vadd.f32 v63, v52  }
0x255: {  	v47 =	vmul.f32 v41, v47;
	v61 =	vmul.f32 v41, v44;
	v50 =	vadd.f32 v57, v50  }
0x256: {  	s26 =	spop (v2sf);
	v45 =	vmul.f32 v41, v45;
	v44 =	vmul.f32 v41, v42;
	[tilespmem:s11+$0x70] =	vst v48;
	v60 =	vadd.f32 v58, v52  }
0x257: {  	s26 =	smax.f32 s26, $1.000000020e-24;
	v43 =	vmul.f32 v41, v43;
	[tilespmem:s11+$0x0] =	vst v47;
	(xrf2) =	vadd.scan.msk.f32 $0xffff, v50;
	v50 =	vmul.f32 v49, v51  }
0x258: {  	v42 =	vmul.f32 v41, v46;
	v63 =	vmov s26;
	[tilespmem:s11+$0x10] =	vst v61;
	v62 =	vadd.f32 v59, v60  }
0x259: {  	[tilespmem:s11+$0x20] =	vst v45;
	v51 =	vmul.f32 $5.000000000e-01, v63;
	v40 =	vmul.f32 v50, v40  }
0x25a: {  	s28 =	simm.s32 $0x12780;
	s26 =	simm.s32 $0x4;
	v45 =	vshra.s32 v63, $0x1;
	v49 =	vmul.f32 v50, v39;
	v52 =	vmul.f32 v50, v38;
	s29 =	spop (v2sf);
	(xrf2) =	vadd.scan.msk.f32 $0xffff, v62  }
.LBB2_9:
0x25b: {  	v53 =	vsub.s32 $0x5F3759DF, v45;
	v54 =	vmul.f32 v50, v18;
	v24 =	vmul.f32 v50, v24;
	v38 =	vmovc v21  }
0x25c: {  	v47 =	vld [tilespmem:s28+$0x0];
	s29 =	smax.f32 s29, $1.000000020e-24;
	[tilespmem:s11+$0xFFFFFF80] =	vst v40;
	v40 =	vmovc v5;
	v5 =	vmovc v26;
	v46 =	vmov v0;
	v0 =	vmov v20;
	v39 =	vmov v7  }
0x25d: {  	s26 =	sadd.s32 $0x2, s26;
	v27 =	vmul.f32 v50, v27;
	v7 =	vmovc v28;
	v48 =	vld [tilespmem:s28+$0x10];
	v21 =	vmov s29;
	v20 =	vmul.f32 v53, v51;
	[tilespmem:s11+$0xFFFFFF90] =	vst v49;
	v49 =	vmovc v2  }
0x25e: {  	v33 =	vmul.f32 v50, v33;
	v18 =	vmovc v9;
	p1 =	slt.u32 s26, $0x7E;
	v2 =	vmovc v22;
	v45 =	vld [tilespmem:s28+$0xFFFFFF90];
	v26 =	vshra.s32 v21, $0x1;
	v55 =	vmul.f32 $5.000000000e-01, v21;
	[tilespmem:s11+$0xFFFFFFA0] =	vst v52  }
0x25f: {  	v37 =	vmul.f32 v50, v37;
	v9 =	vmovc v29;
	v21 =	vld [tilespmem:s28+$0x20];
	v52 =	vsub.s32 $0x5F3759DF, v26;
	v22 =	vmul.f32 v53, v20;
	[tilespmem:s11+$0xFFFFFFB0] =	vst v54  }
0x260: {  	v41 =	vmul.f32 v41, v6;
	v26 =	vld [tilespmem:s28+$0xFFFFFF80];
	v50 =	vmul.f32 v52, v55;
	[tilespmem:s11+$0xFFFFFFC0] =	vst v24;
	v54 =	vmovc v1;
	v1 =	vmov v25  }
0x261: {  	v6 =	vmovc v3;
	v3 =	vmovc v30;
	v24 =	vmov v8;
	v8 =	vmov v32;
	v20 =	vld [tilespmem:s28+$0x30];
	v25 =	vsub.f32 $1.500000000e+00, v22;
	[tilespmem:s11+$0xFFFFFFD0] =	vst v27  }
0x262: {  	v30 =	vmul.f32 v47, v47;
	v27 =	vmov v11;
	v28 =	vld [tilespmem:s28+$0xFFFFFFA0];
	v32 =	vmul.f32 v48, v48;
	v29, _, _ =	vpop (xrf2);
	[tilespmem:s11+$0xFFFFFFE0] =	vst v33  }
0x263: {  	v11 =	vmovc v36;
	v56 =	vmul.f32 v45, v45;
	v22 =	vld [tilespmem:s28+$0x40];
	(v2sf) =	vpush v29, $0xF;
	v53 =	vmul.f32 v53, v25;
	[tilespmem:s11+$0xFFFFFFF0] =	vst v37  }
0x264: {  	v37 =	vmul.f32 v52, v50;
	v29 =	vld [tilespmem:s28+$0xFFFFFFB0];
	v30 =	vadd.f32 v32, v30;
	v36 =	vmul.f32 v21, v21;
	[tilespmem:s11+$0x30] =	vst v44  }
0x265: {  	v33 =	vmov v17;
	v44 =	vmul.f32 v26, v26;
	v25 =	vld [tilespmem:s28+$0x50];
	v50, _, _ =	vpop (xrf2);
	v51 =	vmul.f32 v53, v51;
	[tilespmem:s11+$0x40] =	vst v43  }
0x266: {  	v17 =	vmovc v34;
	v32 =	vld [tilespmem:s28+$0xFFFFFFC0];
	v43 =	vadd.f32 v36, v30;
	v57 =	vmul.f32 v20, v20;
	(v2sf) =	vpush v50, $0xF;
	[tilespmem:s11+$0x50] =	vst v42  }
0x267: {  	v34 =	vadd.f32 v56, v44;
	v42 =	vmul.f32 v28, v28;
	v30 =	vld [tilespmem:s28+$0x60];
	v44 =	vmul.f32 v51, v53;
	[tilespmem:s11+$0x60] =	vst v41;
	s11 =	smov.u32 s6;
	s6 =	smov.u32 s12;
	s12 =	smov.u32 s28  }
0x268: {  	v50 =	vsub.f32 $1.500000000e+00, v37;
	v37 =	vmovc v10;
	v10 =	vmovc v31;
	v36 =	vld [tilespmem:s28+$0xFFFFFFD0];
	v41 =	vadd.f32 v57, v43;
	v43 =	vmul.f32 v22, v22  }
0x269: {  	v31 =	vadd.f32 v42, v34;
	v42 =	vmul.f32 v29, v29;
	v51 =	vld [tilespmem:s28+$0x70];
	v44 =	vsub.f32 $1.500000000e+00, v44  }
0x26a: {  	v50 =	vmul.f32 v52, v50;
	v34 =	vld [tilespmem:s28+$0xFFFFFFE0];
	v43 =	vadd.f32 v43, v41;
	v56 =	vmul.f32 v25, v25  }
0x26b: {  	v42 =	vadd.f32 v42, v31;
	v52 =	vmul.f32 v32, v32;
	v31 =	vld [tilespmem:s28+$0xFFFFFFF0];
	v41 =	vmul.f32 v44, v53  }
0x26c: {  	v53 =	vmul.f32 v50, v55;
	v43 =	vadd.f32 v56, v43;
	v44 =	vmul.f32 v30, v30  }
0x26d: {  	v42 =	vadd.f32 v52, v42;
	v52 =	vmul.f32 v36, v36;
	v55 =	vmul.f32 v41, v23;
	v23 =	vmovc v35  }
0x26e: {  	v53 =	vmul.f32 v53, v50;
	v43 =	vadd.f32 v44, v43;
	v44 =	vmul.f32 v51, v51;
	v35 =	vmovc v51  }
0x26f: {  	v42 =	vadd.f32 v52, v42;
	v51 =	vmul.f32 v34, v34;
	v52 =	vmul.f32 v41, v14;
	[tilespmem:s11+$0x70] =	vst v55  }
0x270: {  	v14 =	vmovc v15;
	v15 =	vmovc v47;
	v55 =	vmul.f32 v31, v31;
	v43 =	vadd.f32 v44, v43;
	v44 =	vsub.f32 $1.500000000e+00, v53  }
.Ltmp3:
0x271: {  	v19 =	vmul.f32 v41, v19;
	v47 =	vmul.f32 v41, v12;
	v42 =	vadd.f32 v51, v42;
	[tilespmem:s11+$0x0] =	vst v52;
	(pc) =	sbr.rel @p1 .LBB2_9-.Ltmp3, $4  }
0x272: {  	v12 =	vmovc v16;
	v16 =	vmov v48;
	(xrf2) =	vadd.scan.msk.f32 $0xffff, v43;
	s29 =	spop (v2sf);
	v50 =	vmul.f32 v44, v50;
	v44 =	vmul.f32 v41, v46  }
0x273: {  	v43 =	vmul.f32 v41, v49;
	v46 =	vadd.f32 v55, v42;
	s29 =	smax.f32 s29, $1.000000020e-24;
	[tilespmem:s11+$0x10] =	vst v47;
	v42 =	vmul.f32 v41, v54  }
0x274: {  	v47 =	vmov s29;
	v40 =	vmul.f32 v50, v40;
	v49 =	vmul.f32 v50, v4;
	[tilespmem:s11+$0x20] =	vst v19;
	v4 =	vmovc v13;
	v13 =	vmovc v45  }
0x275: {  	s28 =	sadd.s32 $0x100, s28;
	v52 =	vmul.f32 v50, v39;
	v19 =	vmovc v38;
	(xrf2) =	vadd.scan.msk.f32 $0xffff, v46;
	v45 =	vshra.s32 v47, $0x1;
	v51 =	vmul.f32 $5.000000000e-01, v47;
	s29 =	spop (v2sf)  }
0x276: {  	_ =	sdelay $0x5  }
0x277: {  	v38, _, _ =	vpop (xrf2)  }
0x278: {  	(v2sf) =	vpush v38, $0xF;
	_ =	sdelay $0x1  }
0x279: {  	v61 =	vsub.s32 $0x5F3759DF, v45  }
0x27a: {  	s26 =	smax.f32 s29, $1.000000020e-24;
	v39 =	vmul.f32 v61, v51;
	v62, _, _ =	vpop (xrf2)  }
0x27b: {  	v46 =	vmov s26;
	(v2sf) =	vpush v62, $0xF  }
0x27c: {  	v63 =	vshra.s32 v46, $0x1;
	v46 =	vmul.f32 $5.000000000e-01, v46;
	v39 =	vmul.f32 v61, v39  }
0x27d: {  	v45 =	vsub.s32 $0x5F3759DF, v63  }
0x27e: {  	v47 =	vmul.f32 v45, v46;
	v39 =	vsub.f32 $1.500000000e+00, v39;
	_ =	sdelay $0x1  }
0x27f: {  	v48 =	vmul.f32 v45, v47;
	v38 =	vmul.f32 v61, v39  }
0x280: {  	[tilespmem:s11+$0xFFFFFF80] =	vst v40  }
0x281: {  	v18 =	vmul.f32 v50, v18;
	[tilespmem:s11+$0xFFFFFF90] =	vst v49;
	v39 =	vsub.f32 $1.500000000e+00, v48;
	v53 =	vmul.f32 v38, v51  }
0x282: {  	v24 =	vmul.f32 v50, v24;
	v27 =	vmul.f32 v50, v27;
	[tilespmem:s11+$0x30] =	vst v44  }
0x283: {  	[tilespmem:s11+$0xFFFFFFB0] =	vst v18;
	v39 =	vmul.f32 v45, v39;
	v18 =	vmul.f32 v53, v38  }
0x284: {  	[tilespmem:s11+$0xFFFFFFC0] =	vst v24  }
0x285: {  	v24 =	vmul.f32 v50, v37;
	[tilespmem:s11+$0xFFFFFFD0] =	vst v27;
	v27 =	vmul.f32 v39, v46;
	v18 =	vsub.f32 $1.500000000e+00, v18;
	s29 =	spop (v2sf)  }
0x286: {  	v33 =	vmul.f32 v50, v33;
	[tilespmem:s11+$0x40] =	vst v43;
	s26 =	smax.f32 s29, $1.000000020e-24  }
0x287: {  	[tilespmem:s11+$0xFFFFFFF0] =	vst v24;
	v24 =	vmul.f32 v27, v39;
	v18 =	vmul.f32 v18, v38;
	v27 =	vmov s26  }
0x288: {  	v6 =	vmul.f32 v41, v6;
	[tilespmem:s11+$0x50] =	vst v42;
	v54 =	vshra.s32 v27, $0x1;
	v27 =	vmul.f32 $5.000000000e-01, v27  }
0x289: {  	[tilespmem:s11+$0xFFFFFFE0] =	vst v33;
	v24 =	vsub.f32 $1.500000000e+00, v24;
	v23 =	vmul.f32 v18, v23;
	s29 =	spop (v2sf);
	v33 =	vsub.s32 $0x5F3759DF, v54  }
0x28a: {  	[tilespmem:s11+$0xFFFFFFA0] =	vst v52;
	v14 =	vmul.f32 v18, v14;
	s26 =	smax.f32 s29, $1.000000020e-24;
	v55 =	vmul.f32 v33, v27  }
0x28b: {  	[tilespmem:s11+$0x60] =	vst v6;
	v6 =	vmul.f32 v18, v12;
	v12 =	vmul.f32 v24, v39;
	v24 =	vmov s26  }
0x28c: {  	[tilespmem:s6+$0x70] =	vst v23;
	v23 =	vshra.s32 v24, $0x1;
	v24 =	vmul.f32 $5.000000000e-01, v24;
	v37 =	vmul.f32 v33, v55  }
0x28d: {  	v0 =	vmul.f32 v18, v0;
	[tilespmem:s6+$0x0] =	vst v14;
	v14 =	vmul.f32 v18, v19;
	v19 =	vsub.s32 $0x5F3759DF, v23  }
0x28e: {  	[tilespmem:s6+$0x10] =	vst v6;
	v5 =	vmul.f32 v12, v5;
	v6 =	vmul.f32 v19, v24;
	v23 =	vsub.f32 $1.500000000e+00, v37  }
0x28f: {  	[tilespmem:s6+$0x30] =	vst v0;
	v4 =	vmul.f32 v12, v4;
	v7 =	vmul.f32 v12, v7  }
0x290: {  	[tilespmem:s6+$0xFFFFFF80] =	vst v5;
	v6 =	vmul.f32 v19, v6;
	v5 =	vmul.f32 v33, v23  }
0x291: {  	v2 =	vmul.f32 v18, v2;
	[tilespmem:s6+$0xFFFFFF90] =	vst v4  }
0x292: {  	v4 =	vmul.f32 v12, v8;
	[tilespmem:s6+$0xFFFFFFA0] =	vst v7;
	v6 =	vsub.f32 $1.500000000e+00, v6;
	v7 =	vmul.f32 v5, v27  }
0x293: {  	v1 =	vmul.f32 v18, v1;
	[tilespmem:s6+$0x40] =	vst v2;
	v8 =	vmul.f32 v12, v11  }
0x294: {  	[tilespmem:s6+$0xFFFFFFC0] =	vst v4;
	v6 =	vmul.f32 v19, v6;
	v4 =	vmul.f32 v7, v5  }
0x295: {  	v3 =	vmul.f32 v18, v3;
	[tilespmem:s6+$0x50] =	vst v1  }
0x296: {  	[tilespmem:s6+$0xFFFFFFD0] =	vst v8;
	v8 =	vmul.f32 v6, v24;
	v4 =	vsub.f32 $1.500000000e+00, v4  }
0x297: {  	[tilespmem:s6+$0x60] =	vst v3;
	v9 =	vmul.f32 v12, v9;
	v11 =	vmul.f32 v12, v17  }
0x298: {  	[tilespmem:s6+$0x20] =	vst v14;
	v0 =	vmul.f32 v4, v5;
	v4 =	vmul.f32 v8, v6  }
0x299: {  	[tilespmem:s6+$0xFFFFFFB0] =	vst v9;
	v7 =	vmul.f32 v12, v10  }
0x29a: {  	[tilespmem:s6+$0xFFFFFFE0] =	vst v11;
	v1 =	vmul.f32 v0, v35;
	v2 =	vsub.f32 $1.500000000e+00, v4  }
0x29b: {  	[tilespmem:s6+$0xFFFFFFF0] =	vst v7;
	v3 =	vmul.f32 v0, v15  }
0x29c: {  	[tilespmem:s12+$0x70] =	vst v1;
	v1 =	vmul.f32 v0, v16;
	v2 =	vmul.f32 v2, v6  }
0x29d: {  	[tilespmem:s12+$0x0] =	vst v3;
	v3 =	vmul.f32 v0, v21  }
0x29e: {  	[tilespmem:s12+$0x10] =	vst v1;
	v1 =	vmul.f32 v2, v26  }
0x29f: {  	v4 =	vmul.f32 v2, v13;
	[tilespmem:s12+$0x20] =	vst v3  }
0x2a0: {  	v3 =	vmul.f32 v2, v28;
	[tilespmem:s12+$0xFFFFFF80] =	vst v1  }
0x2a1: {  	v1 =	vmul.f32 v2, v29;
	[tilespmem:s12+$0xFFFFFF90] =	vst v4  }
0x2a2: {  	v4 =	vmul.f32 v2, v32;
	[tilespmem:s12+$0xFFFFFFA0] =	vst v3  }
0x2a3: {  	v3 =	vmul.f32 v2, v36;
	[tilespmem:s12+$0xFFFFFFB0] =	vst v1  }
0x2a4: {  	v1 =	vmul.f32 v2, v34;
	[tilespmem:s12+$0xFFFFFFC0] =	vst v4  }
0x2a5: {  	v2 =	vmul.f32 v2, v31;
	[tilespmem:s12+$0xFFFFFFD0] =	vst v3  }
0x2a6: {  	v3 =	vmul.f32 v0, v20;
	[tilespmem:s12+$0xFFFFFFE0] =	vst v1  }
0x2a7: {  	v1 =	vmul.f32 v0, v22;
	[tilespmem:s12+$0xFFFFFFF0] =	vst v2  }
0x2a8: {  	v2 =	vmul.f32 v0, v25;
	[tilespmem:s12+$0x30] =	vst v3  }
0x2a9: {  	s11 =	sadd.s32 s9, s0;
	v0 =	vmul.f32 v0, v30;
	[tilespmem:s12+$0x40] =	vst v1  }
0x2aa: {  	s6 =	sshrl.u32 s11, $0x3;
	[tilespmem:s12+$0x50] =	vst v2  }
0x2ab: {  	s6 =	sadd.s32 s3, s6;
	[tilespmem:s12+$0x60] =	vst v0  }
0x2ac: {  	[hbm4b:s6+s4] =	stream.linear.scatter [tilespmem:s18], [sflag:$0x9], $0x4000, $0x38;
	[tilespmem:$0x1A400] =	vst v63  }
0x2ad: {  	_ =	swait.ge [sflag:s24], $0x4000  }
0x2ae: {  	s1 =	sadd.s32 @!p0 $0x300, s1;
	[sflag:s24] =	ssyncset.done $0x0  }
0x2af: {  	s11 =	simm.s32 @!p0 $0xA400;
	s6 =	simm.s32 @!p0 $0x80;
	[sflag:s24] =	ssyncadd.s32 $0xFFFFC000  }
0x2b0: {  	[tilespmem:s11], [sflag:$0x2] =	stream.indirect.gather @!p0 [hbm4b:s2+s6], $0x80, s1, s6, $0xb8;
	[tilespmem:$0x1A400] =	vst v63  }
0x2b1: {  	_ =	swait.ge [sflag:s25], $0x4000  }
0x2b2: {  	[sflag:s25] =	ssyncset.done $0x0  }
0x2b3: {  	s6 =	simm.s32 $0x16480;
	[sflag:s25] =	ssyncadd.s32 $0xFFFFC000  }
0x2b4: {  	v47 =	vld [tilespmem:s6+$0x0]  }
0x2b5: {  	v44 =	vld [tilespmem:s6+$0x10]  }
0x2b6: {  	v39 =	vld [tilespmem:s6+$0xFFFFFF90]  }
0x2b7: {  	v45 =	vld [tilespmem:s6+$0x20]  }
0x2b8: {  	v40 =	vld [tilespmem:s6+$0xFFFFFF80]  }
0x2b9: {  	v42 =	vld [tilespmem:s6+$0x30]  }
0x2ba: {  	v38 =	vld [tilespmem:s6+$0xFFFFFFA0];
	v0 =	vmul.f32 v47, v47;
	v1 =	vmul.f32 v44, v44  }
0x2bb: {  	v43 =	vld [tilespmem:s6+$0x40]  }
0x2bc: {  	v18 =	vld [tilespmem:s6+$0xFFFFFFB0];
	v0 =	vadd.f32 v1, v0;
	v1 =	vmul.f32 v45, v45  }
0x2bd: {  	v46 =	vld [tilespmem:s6+$0x50];
	v2 =	vmul.f32 v39, v39;
	v3 =	vmul.f32 v40, v40  }
0x2be: {  	v24 =	vld [tilespmem:s6+$0xFFFFFFC0];
	v0 =	vadd.f32 v1, v0;
	v1 =	vmul.f32 v42, v42  }
0x2bf: {  	v6 =	vld [tilespmem:s6+$0x60];
	v2 =	vadd.f32 v2, v3;
	v3 =	vmul.f32 v38, v38  }
0x2c0: {  	v27 =	vld [tilespmem:s6+$0xFFFFFFD0];
	v0 =	vadd.f32 v1, v0;
	v1 =	vmul.f32 v43, v43  }
0x2c1: {  	v48 =	vld [tilespmem:s6+$0x70];
	v2 =	vadd.f32 v3, v2;
	v3 =	vmul.f32 v18, v18  }
0x2c2: {  	v0 =	vadd.f32 v1, v0;
	v1 =	vmul.f32 v46, v46  }
0x2c3: {  	v33 =	vld [tilespmem:s6+$0xFFFFFFE0];
	v2 =	vadd.f32 v3, v2;
	v3 =	vmul.f32 v24, v24  }
0x2c4: {  	v0 =	vadd.f32 v1, v0;
	v1 =	vmul.f32 v6, v6  }
0x2c5: {  	v37 =	vld [tilespmem:s6+$0xFFFFFFF0];
	v2 =	vadd.f32 v3, v2  }
0x2c6: {  	v3 =	vmul.f32 v27, v27;
	v0 =	vadd.f32 v1, v0;
	v1 =	vmul.f32 v48, v48;
	_ =	sdelay $0x1  }
0x2c7: {  	v2 =	vadd.f32 v3, v2;
	v3 =	vmul.f32 v33, v33;
	v0 =	vadd.f32 v1, v0;
	_ =	sdelay $0x1  }
0x2c8: {  	v2 =	vadd.f32 v3, v2;
	v1 =	vmul.f32 v37, v37;
	(xrf2) =	vadd.scan.msk.f32 $0xffff, v0  }
0x2c9: {  	s1 =	simm.s32 $0x16580  }
0x2ca: {  	v14 =	vld [tilespmem:s1+$0x0];
	v0 =	vadd.f32 v1, v2  }
0x2cb: {  	v12 =	vld [tilespmem:s1+$0x10]  }
0x2cc: {  	(xrf2) =	vadd.scan.msk.f32 $0xffff, v0  }
0x2cd: {  	v19 =	vld [tilespmem:s1+$0x20]  }
0x2ce: {  	v4 =	vld [tilespmem:s1+$0xFFFFFF90]  }
0x2cf: {  	v0 =	vld [tilespmem:s1+$0x30]  }
0x2d0: {  	v5 =	vld [tilespmem:s1+$0xFFFFFF80];
	v3 =	vmul.f32 v12, v12;
	v1 =	vmul.f32 v14, v14  }
0x2d1: {  	v2 =	vld [tilespmem:s1+$0x40]  }
0x2d2: {  	v7 =	vld [tilespmem:s1+$0xFFFFFFA0];
	v10 =	vmul.f32 v19, v19;
	v3 =	vadd.f32 v3, v1;
	v8, _, _ =	vpop (xrf2)  }
0x2d3: {  	v1 =	vld [tilespmem:s1+$0x50];
	(v2sf) =	vpush v8, $0xF  }
0x2d4: {  	v9 =	vld [tilespmem:s1+$0xFFFFFFB0];
	v10 =	vadd.f32 v10, v3;
	v16 =	vmul.f32 v0, v0  }
0x2d5: {  	v11 =	vmul.f32 v4, v4;
	v13 =	vmul.f32 v5, v5;
	v3 =	vld [tilespmem:s1+$0x60]  }
0x2d6: {  	v10 =	vadd.f32 v16, v10;
	v16 =	vmul.f32 v2, v2;
	v8 =	vld [tilespmem:s1+$0xFFFFFFC0];
	v15, _, _ =	vpop (xrf2)  }
0x2d7: {  	v23 =	vld [tilespmem:s1+$0x70];
	v13 =	vadd.f32 v11, v13;
	(v2sf) =	vpush v15, $0xF;
	v15 =	vmul.f32 v7, v7  }
0x2d8: {  	v11 =	vld [tilespmem:s1+$0xFFFFFFD0];
	v20 =	vmul.f32 v1, v1;
	v16 =	vadd.f32 v16, v10  }
0x2d9: {  	v13 =	vadd.f32 v15, v13;
	v15 =	vmul.f32 v9, v9  }
0x2da: {  	v17 =	vld [tilespmem:s1+$0xFFFFFFE0];
	v16 =	vadd.f32 v20, v16;
	v20 =	vmul.f32 v3, v3  }
0x2db: {  	v13 =	vadd.f32 v15, v13;
	v15 =	vmul.f32 v8, v8  }
0x2dc: {  	v10 =	vld [tilespmem:s1+$0xFFFFFFF0];
	v16 =	vadd.f32 v20, v16  }
0x2dd: {  	v20 =	vmul.f32 v23, v23;
	v13 =	vadd.f32 v15, v13;
	v15 =	vmul.f32 v11, v11;
	_ =	sdelay $0x1  }
0x2de: {  	v16 =	vadd.f32 v20, v16;
	v13 =	vadd.f32 v15, v13;
	v15 =	vmul.f32 v17, v17;
	_ =	sdelay $0x1  }
0x2df: {  	v20 =	vmul.f32 v10, v10;
	(xrf2) =	vadd.scan.msk.f32 $0xffff, v16;
	v13 =	vadd.f32 v15, v13  }
0x2e0: {  	s12 =	spop (v2sf)  }
0x2e1: {  	v13 =	vadd.f32 v20, v13;
	s11 =	smax.f32 s12, $1.000000020e-24  }
0x2e2: {  	v15 =	vmov s11;
	s11 =	simm.s32 $0x16680  }
0x2e3: {  	(xrf2) =	vadd.scan.msk.f32 $0xffff, v13;
	v13 =	vshra.s32 v15, $0x1;
	v30 =	vmul.f32 $5.000000000e-01, v15;
	v15 =	vld [tilespmem:s11+$0x0]  }
0x2e4: {  	v16 =	vld [tilespmem:s11+$0x10]  }
0x2e5: {  	s26 =	spop (v2sf);
	v26 =	vld [tilespmem:s11+$0xFFFFFF80]  }
0x2e6: {  	s12 =	smax.f32 s26, $1.000000020e-24;
	v32 =	vld [tilespmem:s11+$0xFFFFFFC0];
	v25 =	vsub.s32 $0x5F3759DF, v13  }
0x2e7: {  	v21 =	vmov s12;
	v13 =	vld [tilespmem:s11+$0xFFFFFF90];
	v20 =	vmul.f32 v25, v30  }
0x2e8: {  	v22 =	vshra.s32 v21, $0x1;
	v49 =	vmul.f32 $5.000000000e-01, v21;
	v21 =	vld [tilespmem:s11+$0x20]  }
0x2e9: {  	v59, _, _ =	vpop (xrf2);
	v31 =	vsub.s32 $0x5F3759DF, v22;
	v22 =	vld [tilespmem:s11+$0x40];
	v28 =	vmul.f32 v25, v20  }
0x2ea: {  	(v2sf) =	vpush v59, $0xF;
	v56 =	vmul.f32 v31, v49;
	v20 =	vld [tilespmem:s11+$0x30]  }
0x2eb: {  	v57 =	vmul.f32 v15, v15;
	v58 =	vmul.f32 v16, v16;
	v29 =	vsub.f32 $1.500000000e+00, v28;
	v28 =	vld [tilespmem:s11+$0xFFFFFFA0]  }
0x2ec: {  	v36 =	vld [tilespmem:s11+$0xFFFFFFD0];
	v63 =	vmul.f32 v26, v26;
	v62 =	vmul.f32 v31, v56  }
0x2ed: {  	v34 =	vadd.f32 v58, v57;
	v61 =	vmul.f32 v21, v21;
	v50 =	vmul.f32 v25, v29;
	v29 =	vld [tilespmem:s11+$0xFFFFFFB0]  }
0x2ee: {  	v60 =	vmul.f32 v13, v13;
	v25 =	vld [tilespmem:s11+$0x50];
	v56, _, _ =	vpop (xrf2);
	v55 =	vmul.f32 v22, v22;
	v51 =	vsub.f32 $1.500000000e+00, v62  }
0x2ef: {  	v35 =	vld [tilespmem:s11+$0x70];
	v34 =	vadd.f32 v61, v34;
	v57 =	vmul.f32 v20, v20;
	(v2sf) =	vpush v56, $0xF  }
0x2f0: {  	v41 =	vadd.f32 v60, v63;
	v53 =	vmul.f32 v50, v30;
	v30 =	vld [tilespmem:s11+$0x60];
	v58 =	vmul.f32 v28, v28  }
0x2f1: {  	v63 =	vmul.f32 v36, v36;
	v51 =	vmul.f32 v31, v51;
	v31 =	vld [tilespmem:s11+$0xFFFFFFF0];
	v54 =	vadd.f32 v57, v34  }
0x2f2: {  	v34 =	vld [tilespmem:s11+$0xFFFFFFE0];
	v53 =	vmul.f32 v53, v50;
	v41 =	vadd.f32 v58, v41;
	v59 =	vmul.f32 v29, v29  }
0x2f3: {  	v56 =	vmul.f32 v32, v32;
	v54 =	vadd.f32 v55, v54;
	v60 =	vmul.f32 v25, v25  }
0x2f4: {  	v49 =	vmul.f32 v51, v49;
	v53 =	vsub.f32 $1.500000000e+00, v53;
	v52 =	vadd.f32 v59, v41  }
0x2f5: {  	v57 =	vmul.f32 v35, v35;
	v61 =	vadd.f32 v60, v54;
	v62 =	vmul.f32 v30, v30  }
0x2f6: {  	v49 =	vmul.f32 v49, v51;
	v41 =	vmul.f32 v53, v50;
	v52 =	vadd.f32 v56, v52  }
0x2f7: {  	v59 =	vmul.f32 v31, v31;
	v58 =	vmul.f32 v34, v34;
	v50 =	vadd.f32 v62, v61  }
0x2f8: {  	v49 =	vsub.f32 $1.500000000e+00, v49;
	v48 =	vmul.f32 v41, v48;
	v52 =	vadd.f32 v63, v52  }
0x2f9: {  	v47 =	vmul.f32 v41, v47;
	v61 =	vmul.f32 v41, v44;
	v50 =	vadd.f32 v57, v50  }
0x2fa: {  	s29 =	spop (v2sf);
	v45 =	vmul.f32 v41, v45;
	v44 =	vmul.f32 v41, v42;
	[tilespmem:s6+$0x70] =	vst v48;
	v60 =	vadd.f32 v58, v52  }
0x2fb: {  	s12 =	smax.f32 s29, $1.000000020e-24;
	v43 =	vmul.f32 v41, v43;
	[tilespmem:s6+$0x0] =	vst v47;
	(xrf2) =	vadd.scan.msk.f32 $0xffff, v50;
	v50 =	vmul.f32 v49, v51  }
0x2fc: {  	v42 =	vmul.f32 v41, v46;
	v63 =	vmov s12;
	[tilespmem:s6+$0x10] =	vst v61;
	v62 =	vadd.f32 v59, v60  }
0x2fd: {  	[tilespmem:s6+$0x20] =	vst v45;
	v51 =	vmul.f32 $5.000000000e-01, v63;
	v40 =	vmul.f32 v50, v40  }
0x2fe: {  	s26 =	simm.s32 $0x16780;
	s12 =	simm.s32 $0x4;
	v45 =	vshra.s32 v63, $0x1;
	v49 =	vmul.f32 v50, v39;
	v52 =	vmul.f32 v50, v38;
	s28 =	spop (v2sf);
	(xrf2) =	vadd.scan.msk.f32 $0xffff, v62  }
.LBB2_11:
0x2ff: {  	v53 =	vsub.s32 $0x5F3759DF, v45;
	v54 =	vmul.f32 v50, v18;
	v24 =	vmul.f32 v50, v24;
	v38 =	vmovc v21  }
0x300: {  	v47 =	vld [tilespmem:s26+$0x0];
	s28 =	smax.f32 s28, $1.000000020e-24;
	[tilespmem:s6+$0xFFFFFF80] =	vst v40;
	v40 =	vmovc v5;
	v5 =	vmovc v26;
	v46 =	vmov v0;
	v0 =	vmov v20;
	v39 =	vmov v7  }
0x301: {  	s12 =	sadd.s32 $0x2, s12;
	v27 =	vmul.f32 v50, v27;
	v7 =	vmovc v28;
	v48 =	vld [tilespmem:s26+$0x10];
	v21 =	vmov s28;
	v20 =	vmul.f32 v53, v51;
	[tilespmem:s6+$0xFFFFFF90] =	vst v49;
	v49 =	vmovc v2  }
0x302: {  	v33 =	vmul.f32 v50, v33;
	v18 =	vmovc v9;
	p0 =	slt.u32 s12, $0x7E;
	v2 =	vmovc v22;
	v45 =	vld [tilespmem:s26+$0xFFFFFF90];
	v26 =	vshra.s32 v21, $0x1;
	v55 =	vmul.f32 $5.000000000e-01, v21;
	[tilespmem:s6+$0xFFFFFFA0] =	vst v52  }
0x303: {  	v37 =	vmul.f32 v50, v37;
	v9 =	vmovc v29;
	v21 =	vld [tilespmem:s26+$0x20];
	v52 =	vsub.s32 $0x5F3759DF, v26;
	v22 =	vmul.f32 v53, v20;
	[tilespmem:s6+$0xFFFFFFB0] =	vst v54  }
0x304: {  	v41 =	vmul.f32 v41, v6;
	v26 =	vld [tilespmem:s26+$0xFFFFFF80];
	v50 =	vmul.f32 v52, v55;
	[tilespmem:s6+$0xFFFFFFC0] =	vst v24;
	v54 =	vmovc v1;
	v1 =	vmov v25  }
0x305: {  	v6 =	vmovc v3;
	v3 =	vmovc v30;
	v24 =	vmov v8;
	v8 =	vmov v32;
	v20 =	vld [tilespmem:s26+$0x30];
	v25 =	vsub.f32 $1.500000000e+00, v22;
	[tilespmem:s6+$0xFFFFFFD0] =	vst v27  }
0x306: {  	v30 =	vmul.f32 v47, v47;
	v27 =	vmov v11;
	v28 =	vld [tilespmem:s26+$0xFFFFFFA0];
	v32 =	vmul.f32 v48, v48;
	v29, _, _ =	vpop (xrf2);
	[tilespmem:s6+$0xFFFFFFE0] =	vst v33  }
0x307: {  	v11 =	vmovc v36;
	v56 =	vmul.f32 v45, v45;
	v22 =	vld [tilespmem:s26+$0x40];
	(v2sf) =	vpush v29, $0xF;
	v53 =	vmul.f32 v53, v25;
	[tilespmem:s6+$0xFFFFFFF0] =	vst v37  }
0x308: {  	v37 =	vmul.f32 v52, v50;
	v29 =	vld [tilespmem:s26+$0xFFFFFFB0];
	v30 =	vadd.f32 v32, v30;
	v36 =	vmul.f32 v21, v21;
	[tilespmem:s6+$0x30] =	vst v44  }
0x309: {  	v33 =	vmov v17;
	v44 =	vmul.f32 v26, v26;
	v25 =	vld [tilespmem:s26+$0x50];
	v50, _, _ =	vpop (xrf2);
	v51 =	vmul.f32 v53, v51;
	[tilespmem:s6+$0x40] =	vst v43  }
0x30a: {  	v17 =	vmovc v34;
	v32 =	vld [tilespmem:s26+$0xFFFFFFC0];
	v43 =	vadd.f32 v36, v30;
	v57 =	vmul.f32 v20, v20;
	(v2sf) =	vpush v50, $0xF;
	[tilespmem:s6+$0x50] =	vst v42  }
0x30b: {  	v34 =	vadd.f32 v56, v44;
	v42 =	vmul.f32 v28, v28;
	v30 =	vld [tilespmem:s26+$0x60];
	v44 =	vmul.f32 v51, v53;
	[tilespmem:s6+$0x60] =	vst v41;
	s6 =	smov.u32 s1;
	s1 =	smov.u32 s11;
	s11 =	smov.u32 s26  }
0x30c: {  	v50 =	vsub.f32 $1.500000000e+00, v37;
	v37 =	vmovc v10;
	v10 =	vmovc v31;
	v36 =	vld [tilespmem:s26+$0xFFFFFFD0];
	v41 =	vadd.f32 v57, v43;
	v43 =	vmul.f32 v22, v22  }
0x30d: {  	v31 =	vadd.f32 v42, v34;
	v42 =	vmul.f32 v29, v29;
	v51 =	vld [tilespmem:s26+$0x70];
	v44 =	vsub.f32 $1.500000000e+00, v44  }
0x30e: {  	v50 =	vmul.f32 v52, v50;
	v34 =	vld [tilespmem:s26+$0xFFFFFFE0];
	v43 =	vadd.f32 v43, v41;
	v56 =	vmul.f32 v25, v25  }
0x30f: {  	v42 =	vadd.f32 v42, v31;
	v52 =	vmul.f32 v32, v32;
	v31 =	vld [tilespmem:s26+$0xFFFFFFF0];
	v41 =	vmul.f32 v44, v53  }
0x310: {  	v53 =	vmul.f32 v50, v55;
	v43 =	vadd.f32 v56, v43;
	v44 =	vmul.f32 v30, v30  }
0x311: {  	v42 =	vadd.f32 v52, v42;
	v52 =	vmul.f32 v36, v36;
	v55 =	vmul.f32 v41, v23;
	v23 =	vmovc v35  }
0x312: {  	v53 =	vmul.f32 v53, v50;
	v43 =	vadd.f32 v44, v43;
	v44 =	vmul.f32 v51, v51;
	v35 =	vmovc v51  }
0x313: {  	v42 =	vadd.f32 v52, v42;
	v51 =	vmul.f32 v34, v34;
	v52 =	vmul.f32 v41, v14;
	[tilespmem:s6+$0x70] =	vst v55  }
0x314: {  	v14 =	vmovc v15;
	v15 =	vmovc v47;
	v55 =	vmul.f32 v31, v31;
	v43 =	vadd.f32 v44, v43;
	v44 =	vsub.f32 $1.500000000e+00, v53  }
.Ltmp4:
0x315: {  	v19 =	vmul.f32 v41, v19;
	v47 =	vmul.f32 v41, v12;
	v42 =	vadd.f32 v51, v42;
	[tilespmem:s6+$0x0] =	vst v52;
	(pc) =	sbr.rel @p0 .LBB2_11-.Ltmp4, $4  }
0x316: {  	v12 =	vmovc v16;
	v16 =	vmov v48;
	(xrf2) =	vadd.scan.msk.f32 $0xffff, v43;
	s28 =	spop (v2sf);
	v50 =	vmul.f32 v44, v50;
	v44 =	vmul.f32 v41, v46  }
0x317: {  	v43 =	vmul.f32 v41, v49;
	v46 =	vadd.f32 v55, v42;
	s28 =	smax.f32 s28, $1.000000020e-24;
	[tilespmem:s6+$0x10] =	vst v47;
	v42 =	vmul.f32 v41, v54  }
0x318: {  	v47 =	vmov s28;
	v40 =	vmul.f32 v50, v40;
	v49 =	vmul.f32 v50, v4;
	[tilespmem:s6+$0x20] =	vst v19;
	v4 =	vmovc v13;
	v13 =	vmovc v45  }
0x319: {  	s26 =	sadd.s32 $0x100, s26;
	v52 =	vmul.f32 v50, v39;
	v19 =	vmovc v38;
	(xrf2) =	vadd.scan.msk.f32 $0xffff, v46;
	v45 =	vshra.s32 v47, $0x1;
	v51 =	vmul.f32 $5.000000000e-01, v47;
	s28 =	spop (v2sf)  }
0x31a: {  	_ =	sdelay $0x5  }
0x31b: {  	v38, _, _ =	vpop (xrf2)  }
0x31c: {  	(v2sf) =	vpush v38, $0xF;
	_ =	sdelay $0x2  }
0x31d: {  	v61 =	vsub.s32 $0x5F3759DF, v45  }
0x31e: {  	v39 =	vmul.f32 v61, v51;
	_ =	sdelay $0x1  }
0x31f: {  	v39 =	vmul.f32 v61, v39  }
0x320: {  	s12 =	smax.f32 s28, $1.000000020e-24;
	v62, _, _ =	vpop (xrf2)  }
0x321: {  	v46 =	vmov s12;
	v39 =	vsub.f32 $1.500000000e+00, v39;
	(v2sf) =	vpush v62, $0xF  }
0x322: {  	v63 =	vshra.s32 v46, $0x1;
	v46 =	vmul.f32 $5.000000000e-01, v46  }
0x323: {  	[tilespmem:s6+$0xFFFFFF80] =	vst v40;
	v45 =	vsub.s32 $0x5F3759DF, v63;
	v38 =	vmul.f32 v61, v39  }
0x324: {  	[tilespmem:s6+$0xFFFFFF90] =	vst v49;
	v47 =	vmul.f32 v45, v46  }
0x325: {  	[tilespmem:s6+$0x30] =	vst v44;
	v48 =	vmul.f32 v38, v51  }
0x326: {  	[tilespmem:s6+$0x40] =	vst v43;
	v47 =	vmul.f32 v45, v47  }
0x327: {  	v18 =	vmul.f32 v50, v18;
	[tilespmem:s6+$0x50] =	vst v42;
	v49 =	vmul.f32 v48, v38  }
0x328: {  	v24 =	vmul.f32 v50, v24;
	[tilespmem:s6+$0xFFFFFFA0] =	vst v52;
	v39 =	vsub.f32 $1.500000000e+00, v47;
	s28 =	spop (v2sf)  }
0x329: {  	v27 =	vmul.f32 v50, v27;
	v33 =	vmul.f32 v50, v33;
	[tilespmem:s6+$0xFFFFFFB0] =	vst v18;
	v18 =	vsub.f32 $1.500000000e+00, v49;
	s12 =	smax.f32 s28, $1.000000020e-24  }
0x32a: {  	v6 =	vmul.f32 v41, v6;
	[tilespmem:s6+$0xFFFFFFC0] =	vst v24;
	v39 =	vmul.f32 v45, v39;
	v54 =	vmov s12  }
0x32b: {  	[tilespmem:s6+$0xFFFFFFD0] =	vst v27;
	v18 =	vmul.f32 v18, v38;
	v55 =	vshra.s32 v54, $0x1;
	v27 =	vmul.f32 $5.000000000e-01, v54  }
0x32c: {  	[tilespmem:s6+$0xFFFFFFE0] =	vst v33;
	v51 =	vmul.f32 v50, v37;
	v52 =	vmul.f32 v39, v46;
	v33 =	vsub.s32 $0x5F3759DF, v55  }
0x32d: {  	[tilespmem:s6+$0x60] =	vst v6;
	v23 =	vmul.f32 v18, v23;
	v56 =	vmul.f32 v33, v27  }
0x32e: {  	[tilespmem:s6+$0xFFFFFFF0] =	vst v51;
	v53 =	vmul.f32 v52, v39;
	v14 =	vmul.f32 v18, v14  }
0x32f: {  	v57 =	vmul.f32 v18, v12;
	[tilespmem:s1+$0x70] =	vst v23;
	v37 =	vmul.f32 v33, v56  }
0x330: {  	v24 =	vsub.f32 $1.500000000e+00, v53;
	v61 =	vmul.f32 v18, v19;
	[tilespmem:s1+$0x0] =	vst v14;
	s29 =	spop (v2sf)  }
0x331: {  	v0 =	vmul.f32 v18, v0;
	v2 =	vmul.f32 v18, v2;
	[tilespmem:s1+$0x10] =	vst v57;
	s12 =	smax.f32 s29, $1.000000020e-24;
	v38 =	vsub.f32 $1.500000000e+00, v37  }
0x332: {  	v1 =	vmul.f32 v18, v1;
	v58 =	vmul.f32 v24, v39;
	[tilespmem:s1+$0x20] =	vst v61;
	v59 =	vmov s12  }
0x333: {  	[tilespmem:s1+$0x30] =	vst v0;
	v60 =	vshra.s32 v59, $0x1;
	v24 =	vmul.f32 $5.000000000e-01, v59;
	v39 =	vmul.f32 v33, v38  }
0x334: {  	v3 =	vmul.f32 v18, v3;
	[tilespmem:s1+$0x40] =	vst v2;
	v5 =	vmul.f32 v58, v5;
	v62 =	vsub.s32 $0x5F3759DF, v60  }
0x335: {  	[tilespmem:s1+$0x50] =	vst v1;
	v63 =	vmul.f32 v62, v24;
	v41 =	vmul.f32 v39, v27  }
0x336: {  	[tilespmem:s1+$0x60] =	vst v3;
	v4 =	vmul.f32 v58, v4;
	v7 =	vmul.f32 v58, v7  }
0x337: {  	[tilespmem:s1+$0xFFFFFF80] =	vst v5;
	v6 =	vmul.f32 v62, v63;
	v44 =	vmul.f32 v41, v39  }
0x338: {  	v9 =	vmul.f32 v58, v9;
	[tilespmem:s1+$0xFFFFFF90] =	vst v4  }
0x339: {  	v40 =	vmul.f32 v58, v8;
	[tilespmem:s1+$0xFFFFFFA0] =	vst v7;
	v6 =	vsub.f32 $1.500000000e+00, v6;
	v4 =	vsub.f32 $1.500000000e+00, v44  }
0x33a: {  	v42 =	vmul.f32 v58, v11;
	v43 =	vmul.f32 v58, v17;
	[tilespmem:s1+$0xFFFFFFB0] =	vst v9  }
0x33b: {  	[tilespmem:s1+$0xFFFFFFC0] =	vst v40;
	v6 =	vmul.f32 v62, v6;
	v47 =	vmul.f32 v4, v39  }
0x33c: {  	v45 =	vmul.f32 v58, v10;
	[tilespmem:s1+$0xFFFFFFD0] =	vst v42  }
0x33d: {  	[tilespmem:s1+$0xFFFFFFE0] =	vst v43;
	v46 =	vmul.f32 v6, v24;
	v49 =	vmul.f32 v47, v35  }
0x33e: {  	[tilespmem:s1+$0xFFFFFFF0] =	vst v45;
	v51 =	vmul.f32 v47, v15  }
0x33f: {  	v48 =	vmul.f32 v46, v6;
	v52 =	vmul.f32 v47, v16;
	[tilespmem:s11+$0x70] =	vst v49  }
0x340: {  	v53 =	vmul.f32 v47, v21;
	[tilespmem:s11+$0x0] =	vst v51  }
0x341: {  	v50 =	vsub.f32 $1.500000000e+00, v48;
	v61 =	vmul.f32 v47, v20;
	[tilespmem:s11+$0x10] =	vst v52  }
0x342: {  	v62 =	vmul.f32 v47, v22;
	[tilespmem:s11+$0x20] =	vst v53  }
0x343: {  	v63 =	vmul.f32 v47, v25;
	v2 =	vmul.f32 v50, v6;
	[tilespmem:s11+$0x30] =	vst v61  }
0x344: {  	v0 =	vmul.f32 v47, v30;
	[tilespmem:s11+$0x40] =	vst v62  }
0x345: {  	[tilespmem:s11+$0x50] =	vst v63;
	v54 =	vmul.f32 v2, v26  }
0x346: {  	[tilespmem:s11+$0x60] =	vst v0;
	v55 =	vmul.f32 v2, v13  }
0x347: {  	v56 =	vmul.f32 v2, v28;
	[tilespmem:s11+$0xFFFFFF80] =	vst v54  }
0x348: {  	v57 =	vmul.f32 v2, v29;
	[tilespmem:s11+$0xFFFFFF90] =	vst v55  }
0x349: {  	s31 =	sadd.s32 $0x1, s31;
	v58 =	vmul.f32 v2, v32;
	[tilespmem:s11+$0xFFFFFFA0] =	vst v56  }
0x34a: {  	p0 =	sne.s32 s31, $0x28;
	v59 =	vmul.f32 v2, v36;
	[tilespmem:s11+$0xFFFFFFB0] =	vst v57  }
.Ltmp5:
0x34b: {  	v60 =	vmul.f32 v2, v34;
	[tilespmem:s11+$0xFFFFFFC0] =	vst v58;
	(pc) =	sbr.rel @p0 .LBB2_2-.Ltmp5, $4  }
0x34c: {  	s0 =	sadd.s32 s10, s0;
	v2 =	vmul.f32 v2, v31;
	[tilespmem:s11+$0xFFFFFFD0] =	vst v59  }
0x34d: {  	s0 =	sshrl.u32 s0, $0x3;
	[tilespmem:s11+$0xFFFFFFE0] =	vst v60  }
0x34e: {  	s0 =	sadd.s32 s3, s0;
	[tilespmem:s11+$0xFFFFFFF0] =	vst v2  }
0x34f: {  	[hbm4b:s0+s4] =	stream.linear.scatter [tilespmem:s20], [sflag:$0xA], $0x4000, $0x38;
	[tilespmem:$0x1A400] =	vst v63  }
0x350: {  	s0 =	simm.s32 $0x8  }
0x351: {  	_ =	swait.ge [sflag:s0], $0x4000  }
0x352: {  	[sflag:s0] =	ssyncset.done $0x0  }
0x353: {  	s29 =	simm.s32 $0x9;
	[sflag:s0] =	ssyncadd.s32 $0xFFFFC000  }
0x354: {  	_ =	swait.ge [sflag:s29], $0x4000  }
0x355: {  	[sflag:s29] =	ssyncset.done $0x0  }
0x356: {  	s1 =	simm.s32 $0xA;
	[sflag:s29] =	ssyncadd.s32 $0xFFFFC000  }
0x357: {  	_ =	swait.ge [sflag:s1], $0x4000  }
0x358: {  	s30 =	sadd.s32 $0x1, s30;
	s31 =	rddreg [dreg:$0x5]  }
0x359: {  	p0 =	sne.s32 s30, s31  }
.Ltmp6:
0x35a: {  	_ = 	snop;
	(pc) =	sbr.rel @p0 .LBB2_1-.Ltmp6, $3  }
0x35b: {  	_ =	sdelay $0x1  }
0x35c: {  	[sflag:s1] =	ssyncset.done $0x0  }
0x35d: {  	[sflag:s1] =	ssyncadd.s32 $0xFFFFC000  }
0x35e: {  	_ =	sfence.sel $0x180000  }
0x35f: {  	[bflag:$0x0] =	sbarrier.arrive $0xFFFF  }
0x360: {  	_ =	strace $0x90000047  }
0x361: {  	s0 =	stileid.u32;
	[bflag:$0x2] =	sbarrier.arrive $0xFFFF  }
0x362: {  	p0 =	sne.s32 s0, $0x0;
	s0 =	rddreg [dreg:$0x3]  }
0x363: {  	s0 =	sadd.s32 @!p0 $0x100000, s0  }
0x364: {  	[sflag:s0] =	ssyncadd.tile.s32 @!p0 $0x1;
	_ =	shalt  }
.Lfunc_end2:
_tile_overlayer_lowered:
.L_overlay_start_2:
0x365: {  	(tag) =	ssettag $0x2  }
0x366: {  	s0 =	rddreg [dreg:$0x0];
	s2 =	stileid.u32  }
0x367: {  	s1 =	rddreg [dreg:$0x1];
	p0 =	sne.s32 s2, $0x0  }
0x368: {  	s3 =	rddreg [dreg:$0x2];
	[bflag:$0x3] =	sbarrier.arrive $0xFFFF;
	s2 =	simm.s32 @!p0 $0x1C0B  }
0x369: {  	[timem:s3], [sflag:s2] =	dma.local @!p0 [hbm:s0], s1  }
0x36a: {  	s0 =	simm.s32 @!p0 $0xB  }
0x36b: {  	_ =	swait.ge @!p0 [sflag:s0], s1  }
0x36c: {  	s1 =	ssub.s32 @!p0 $0x0, s1;
	[sflag:s0] =	ssyncset.done @!p0 $0x0  }
0x36d: {  	[sflag:s0] =	ssyncadd.s32 @!p0 s1  }
0x36e: {  	[bflag:$0x3] =	sbarrier.arrive $0xFFFF  }
0x36f: {  	_ =	shalt  }

</sc_bundles>
